<compile_context>
chip_gen: v7x
topology: tpu7x:2x2x1
jax: 0.10.2.dev20260603
libtpu: 0.0.44.dev20260713+nightly
codegen_flags: <defaults>
</compile_context>

<pallas_src>
import functools

import jax
import jax.numpy as jnp
from jax import lax
from jax.experimental import pallas as pl
from jax.experimental.pallas import tpu as pltpu
from jax.experimental.pallas import tpu_sc as plsc

N = 10000
E = 640000
D_IN = 128
H = 64
L = 3

NC = 2
NS = 16
TILES = NC * NS
CHUNK = 128
CH = 157
CHE = CH * CHUNK
EPAD = TILES * CHE
NP = 10240

_MESH = plsc.VectorSubcoreMesh(core_axis_name="c", subcore_axis_name="s")
_SC_PARAMS = pltpu.CompilerParams(needs_layout_passes=False,
                                  use_tc_tiling_on_sc=False)



DW = 16


@functools.partial(
    pl.kernel,
    out_type=jax.ShapeDtypeStruct((NC, NP, DW), jnp.float32),
    mesh=_MESH,
    compiler_params=_SC_PARAMS,
    scratch_types=[
        pltpu.VMEM((CH, CHUNK), jnp.int32),
        pltpu.VMEM((CHUNK, DW), jnp.float32),
        pltpu.VMEM((NP // NS, DW), jnp.float32),
        pltpu.VMEM_SHARED((NP, DW), jnp.float32),
    ],
)
def _deg_kernel(dst_hbm, out_hbm, dst_v, ones_v, zbuf, acc):
    c = lax.axis_index("c")
    s = lax.axis_index("s")
    wid = s * NC + c
    pltpu.sync_copy(dst_hbm.at[wid], dst_v)

    def fill_ones(i, carry):
        ones_v[i, :] = jnp.ones((DW,), jnp.float32)
        return carry

    lax.fori_loop(0, CHUNK, fill_ones, 0)
    zrows = NP // NS

    def fill_zero(i, carry):
        zbuf[i, :] = jnp.zeros((DW,), jnp.float32)
        return carry

    lax.fori_loop(0, zrows, fill_zero, 0)
    pltpu.sync_copy(zbuf, acc.at[pl.ds(s * zrows, zrows)])
    plsc.subcore_barrier()

    def body(j, carry):
        pltpu.sync_copy(ones_v, acc.at[dst_v.at[j]], add=True)
        return carry

    lax.fori_loop(0, CH, body, 0)
    plsc.subcore_barrier()
    pltpu.sync_copy(acc.at[pl.ds(s * zrows, zrows)],
                    out_hbm.at[c].at[pl.ds(s * zrows, zrows)])


@functools.partial(
    pl.kernel,
    out_type=jax.ShapeDtypeStruct((NC, NP, H), jnp.float32),
    mesh=_MESH,
    compiler_params=_SC_PARAMS,
    scratch_types=[
        pltpu.VMEM((CH, CHUNK), jnp.int32),
        pltpu.VMEM((CH, CHUNK), jnp.int32),
        pltpu.VMEM((CHUNK, H), jnp.float32),
        pltpu.VMEM_SHARED((NP, H), jnp.float32),
        pltpu.VMEM_SHARED((N, H), jnp.float32),
        pltpu.SemaphoreType.DMA,
    ],
)
def _mp_kernel(g_hbm, src_hbm, dsti_hbm, zeros_hbm, out_hbm,
               src_v, dst_v, gbuf, acc, tbl_sp, sem):
    c = lax.axis_index("c")
    s = lax.axis_index("s")
    wid = s * NC + c
    pltpu.sync_copy(src_hbm.at[wid], src_v)
    pltpu.sync_copy(dsti_hbm.at[wid], dst_v)
    trows = N // NS
    pltpu.sync_copy(g_hbm.at[pl.ds(s * trows, trows)],
                    tbl_sp.at[pl.ds(s * trows, trows)])
    zrows = NP // NS
    pltpu.sync_copy(zeros_hbm.at[pl.ds(s * zrows, zrows)],
                    acc.at[pl.ds(s * zrows, zrows)])
    plsc.subcore_barrier()

    def body(j, carry):
        pltpu.async_copy(tbl_sp.at[src_v.at[j]], gbuf, sem).wait()
        pltpu.sync_copy(gbuf, acc.at[dst_v.at[j]], add=True)
        return carry

    lax.fori_loop(0, CH, body, 0)
    plsc.subcore_barrier()
    pltpu.sync_copy(acc.at[pl.ds(s * zrows, zrows)],
                    out_hbm.at[c].at[pl.ds(s * zrows, zrows)])



_PREC = jax.lax.Precision.HIGHEST


def _mm(a, b):
    return jnp.dot(a, b, preferred_element_type=jnp.float32, precision=_PREC)


def _k0_body(x_ref, win_ref, bin_ref, parts_ref, wg0_ref, dinv_ref, g_ref):
    deg = parts_ref[0, :N, 0:1] + parts_ref[1, :N, 0:1] + 1.0
    dinv = lax.rsqrt(deg)
    dinv_b = jnp.broadcast_to(dinv, (N, H))
    h = jnp.maximum(_mm(x_ref[...], win_ref[...]) + bin_ref[...][None, :], 0.0)
    dinv_ref[...] = dinv_b
    g_ref[...] = _mm(h, wg0_ref[...]) * dinv_b


def _kmid_body(parts_ref, g_ref, dinv_ref, b_ref, wnext_ref, out_ref):
    dinv_b = dinv_ref[...]
    sacc = parts_ref[0, :N] + parts_ref[1, :N] + g_ref[...]
    h = jnp.maximum(dinv_b * sacc + b_ref[...][None, :], 0.0)
    out_ref[...] = _mm(h, wnext_ref[...]) * dinv_b


def _klast_body(parts_ref, g_ref, dinv_ref, b_ref, wout_ref, bout_ref,
                out_ref):
    dinv_b = dinv_ref[...]
    sacc = parts_ref[0, :N] + parts_ref[1, :N] + g_ref[...]
    h = jnp.maximum(dinv_b * sacc + b_ref[...][None, :], 0.0)
    out_ref[...] = _mm(h, wout_ref[...]) + bout_ref[...][None, :]


_k0 = pl.pallas_call(
    _k0_body,
    out_shape=[jax.ShapeDtypeStruct((N, H), jnp.float32),
               jax.ShapeDtypeStruct((N, H), jnp.float32)],
)

_kmid = pl.pallas_call(
    _kmid_body,
    out_shape=jax.ShapeDtypeStruct((N, H), jnp.float32),
)

_klast = pl.pallas_call(
    _klast_body,
    out_shape=jax.ShapeDtypeStruct((N, H), jnp.float32),
)



def kernel(x, edge_index, W_in, b_in, W_g, b_g, W_out, b_out):
    src = edge_index[0]
    dst = edge_index[1]
    pad = EPAD - E
    src_p = jnp.concatenate(
        [src, jnp.zeros((pad,), jnp.int32)]).reshape(TILES, CH, CHUNK)
    dst_p = jnp.concatenate(
        [dst, jnp.full((pad,), N, jnp.int32)]).reshape(TILES, CH, CHUNK)

    deg_parts = _deg_kernel(dst_p)
    zeros_tbl = jnp.zeros((NP, H), jnp.float32)

    dinv_b, g = _k0(x, W_in.T, b_in, deg_parts, W_g[0].T)
    for i in range(L):
        parts = _mp_kernel(g, src_p, dst_p, zeros_tbl)
        if i < L - 1:
            g = _kmid(parts, g, dinv_b, b_g[i], W_g[i + 1].T)
        else:
            out = _klast(parts, g, dinv_b, b_g[i], W_out.T, b_out)
    return out

# --- scband reference (transcript-rebuilt; emitter-appended) ---
"""Pipeline reference for scband-graph-encoder-2911987826702 (READ-ONLY COPY).

The authoritative reference and input builder live on the scoring server;
editing this copy changes nothing except your own understanding.
"""

import jax, jax.numpy as jnp
import numpy as np

N = 10000
E = 640000
D_IN = 128
H = 64
L = 3

def setup_inputs(seed: int = 0) -> dict:
    key = jax.random.key(seed)
    ks = jax.random.split(key, 10)
    inp = {}
    inp["x"] = jax.random.normal(ks[0], (N, D_IN), dtype=jnp.float32)
    inp["edge_index"] = jax.random.randint(ks[1], (2, E), 0, N, dtype=jnp.int32)
    inp["W_in"] = jax.random.normal(ks[2], (H, D_IN), dtype=jnp.float32) * 0.05
    inp["b_in"] = jnp.zeros((H,), dtype=jnp.float32)
    inp["W_g"] = jax.random.normal(ks[3], (L, H, H), dtype=jnp.float32) * 0.05
    inp["b_g"] = jnp.zeros((L, H), dtype=jnp.float32)
    inp["W_out"] = jax.random.normal(ks[4], (H, H), dtype=jnp.float32) * 0.05
    inp["b_out"] = jnp.zeros((H,), dtype=jnp.float32)
    return inp

def reference(x, edge_index, W_in, b_in, W_g, b_g, W_out, b_out):
    # GCN normalization with self-loops (PyG gcn_norm, improved=False)
    src = edge_index[0]
    dst = edge_index[1]
    loop = jnp.arange(N, dtype=edge_index.dtype)
    src2 = jnp.concatenate([src, loop])
    dst2 = jnp.concatenate([dst, loop])
    deg = jnp.zeros((N,), dtype=x.dtype).at[dst2].add(1.0)
    dinv = jnp.where(deg > 0, 1.0 / jnp.sqrt(deg), 0.0)
    norm = (dinv[src2] * dinv[dst2])[:, None]

    # input projection + relu (dropout = identity in eval mode)
    h = jax.nn.relu(x @ W_in.T + b_in)

    # GCNConv layers: x' = scatter_add(norm * (x W^T)[src] -> dst) + b
    for i in range(L):
        hw = h @ W_g[i].T
        msg = hw[src2] * norm
        h = jnp.zeros((N, H), dtype=x.dtype).at[dst2].add(msg) + b_g[i]
        h = jax.nn.relu(h)

    out = h @ W_out.T + b_out
    return out

if __name__ == "__main__":
    import jax
    _d = setup_inputs()
    print(jax.jit(kernel)(*tuple(_d.values())))

</pallas_src>

<mosaic_0001>
#map = affine_map<(d0, d1) -> (0, 0)>
#map1 = affine_map<(d0, d1) -> (0, 0, 0)>
module attributes {stable_mosaic.version = 14 : i64} {
  func.func @_mp_kernel(%arg0: i32, %arg1: i32, %arg2: memref<10000x64xf32, #tpu.memory_space<hbm>>, %arg3: memref<32x157x128xi32, #tpu.memory_space<hbm>>, %arg4: memref<32x157x128xi32, #tpu.memory_space<hbm>>, %arg5: memref<10240x64xf32, #tpu.memory_space<hbm>>, %arg6: memref<2x10240x64xf32, #tpu.memory_space<hbm>>, %arg7: memref<157x128xi32, #tpu.memory_space<vmem>>, %arg8: memref<157x128xi32, #tpu.memory_space<vmem>>, %arg9: memref<128x64xf32, #tpu.memory_space<vmem>>, %arg10: memref<10240x64xf32, #tpu.memory_space<vmem_shared>>, %arg11: memref<10000x64xf32, #tpu.memory_space<vmem_shared>>, %arg12: memref<!tpu.dma_semaphore, #tpu.memory_space<semaphore_mem>>) attributes {dimension_semantics = [#tpu.dimension_semantics<core_parallel>, #tpu.dimension_semantics<subcore_parallel>], iteration_bounds = array<i64: 2, 16>, scalar_prefetch = 0 : i64, scratch_operands = 6 : i64, tpu.core_type = #tpu.core_type<sc_vector_subcore>, window_params = [{transform_indices = #map}, {transform_indices = #map1}, {transform_indices = #map1}, {transform_indices = #map}, {transform_indices = #map1}]} {
    %mul3A = arith.constant 2 : i32
    %mul3A_0 = arith.muli %arg1, %mul3A : i32
    %add3A = arith.addi %mul3A_0, %arg0 : i32
    "tpu.region"() ({
      %run_scoped3A = tpu.sem_alloc : memref<!tpu.dma_semaphore, #tpu.memory_space<semaphore_mem>>
      %dma_start3A = arith.constant 0 : i32
      %dma_start3A_19 = arith.constant 0 : i32
      %dma_start3A_20 = tpu.memref_slice %arg3[%add3A, %dma_start3A, %dma_start3A_19] : memref<32x157x128xi32, #tpu.memory_space<hbm>> -> memref<1x157x128xi32, #tpu.memory_space<hbm>>
      %dma_start3A_21 = tpu.memref_squeeze %dma_start3A_20 : memref<1x157x128xi32, #tpu.memory_space<hbm>> -> memref<157x128xi32, #tpu.memory_space<hbm>>
      %dma_start3A_22 = arith.constant 0 : i32
      %dma_start3A_23 = arith.constant 0 : i32
      %dma_start3A_24 = tpu.memref_slice %arg3[%add3A, %dma_start3A_22, %dma_start3A_23] : memref<32x157x128xi32, #tpu.memory_space<hbm>> -> memref<1x157x128xi32, #tpu.memory_space<hbm>>
      %dma_start3A_25 = tpu.memref_squeeze %dma_start3A_24 : memref<1x157x128xi32, #tpu.memory_space<hbm>> -> memref<157x128xi32, #tpu.memory_space<hbm>>
      tpu.enqueue_dma source(%dma_start3A_25 : memref<157x128xi32, #tpu.memory_space<hbm>>) target(%arg7 : memref<157x128xi32, #tpu.memory_space<vmem>>) target_semaphore(%run_scoped3A : memref<!tpu.dma_semaphore, #tpu.memory_space<semaphore_mem>>)
      %dma_wait3A = arith.constant 0 : i32
      %dma_wait3A_26 = arith.constant 0 : i32
      %dma_wait3A_27 = tpu.memref_slice %arg3[%add3A, %dma_wait3A, %dma_wait3A_26] : memref<32x157x128xi32, #tpu.memory_space<hbm>> -> memref<1x157x128xi32, #tpu.memory_space<hbm>>
      %dma_wait3A_28 = tpu.memref_squeeze %dma_wait3A_27 : memref<1x157x128xi32, #tpu.memory_space<hbm>> -> memref<157x128xi32, #tpu.memory_space<hbm>>
      %dma_wait3A_29 = arith.constant 0 : i32
      %dma_wait3A_30 = arith.constant 0 : i32
      %dma_wait3A_31 = tpu.memref_slice %arg3[%add3A, %dma_wait3A_29, %dma_wait3A_30] : memref<32x157x128xi32, #tpu.memory_space<hbm>> -> memref<1x157x128xi32, #tpu.memory_space<hbm>>
      %dma_wait3A_32 = tpu.memref_squeeze %dma_wait3A_31 : memref<1x157x128xi32, #tpu.memory_space<hbm>> -> memref<157x128xi32, #tpu.memory_space<hbm>>
      tpu.wait_dma2 semaphore(%run_scoped3A : memref<!tpu.dma_semaphore, #tpu.memory_space<semaphore_mem>>) src(%dma_wait3A_32 : memref<157x128xi32, #tpu.memory_space<hbm>>) dst(%arg7 : memref<157x128xi32, #tpu.memory_space<vmem>>)
      tpu.yield
    }) : () -> ()
    "tpu.region"() ({
      %run_scoped3A = tpu.sem_alloc : memref<!tpu.dma_semaphore, #tpu.memory_space<semaphore_mem>>
      %dma_start3A = arith.constant 0 : i32
      %dma_start3A_19 = arith.constant 0 : i32
      %dma_start3A_20 = tpu.memref_slice %arg4[%add3A, %dma_start3A, %dma_start3A_19] : memref<32x157x128xi32, #tpu.memory_space<hbm>> -> memref<1x157x128xi32, #tpu.memory_space<hbm>>
      %dma_start3A_21 = tpu.memref_squeeze %dma_start3A_20 : memref<1x157x128xi32, #tpu.memory_space<hbm>> -> memref<157x128xi32, #tpu.memory_space<hbm>>
      %dma_start3A_22 = arith.constant 0 : i32
      %dma_start3A_23 = arith.constant 0 : i32
      %dma_start3A_24 = tpu.memref_slice %arg4[%add3A, %dma_start3A_22, %dma_start3A_23] : memref<32x157x128xi32, #tpu.memory_space<hbm>> -> memref<1x157x128xi32, #tpu.memory_space<hbm>>
      %dma_start3A_25 = tpu.memref_squeeze %dma_start3A_24 : memref<1x157x128xi32, #tpu.memory_space<hbm>> -> memref<157x128xi32, #tpu.memory_space<hbm>>
      tpu.enqueue_dma source(%dma_start3A_25 : memref<157x128xi32, #tpu.memory_space<hbm>>) target(%arg8 : memref<157x128xi32, #tpu.memory_space<vmem>>) target_semaphore(%run_scoped3A : memref<!tpu.dma_semaphore, #tpu.memory_space<semaphore_mem>>)
      %dma_wait3A = arith.constant 0 : i32
      %dma_wait3A_26 = arith.constant 0 : i32
      %dma_wait3A_27 = tpu.memref_slice %arg4[%add3A, %dma_wait3A, %dma_wait3A_26] : memref<32x157x128xi32, #tpu.memory_space<hbm>> -> memref<1x157x128xi32, #tpu.memory_space<hbm>>
      %dma_wait3A_28 = tpu.memref_squeeze %dma_wait3A_27 : memref<1x157x128xi32, #tpu.memory_space<hbm>> -> memref<157x128xi32, #tpu.memory_space<hbm>>
      %dma_wait3A_29 = arith.constant 0 : i32
      %dma_wait3A_30 = arith.constant 0 : i32
      %dma_wait3A_31 = tpu.memref_slice %arg4[%add3A, %dma_wait3A_29, %dma_wait3A_30] : memref<32x157x128xi32, #tpu.memory_space<hbm>> -> memref<1x157x128xi32, #tpu.memory_space<hbm>>
      %dma_wait3A_32 = tpu.memref_squeeze %dma_wait3A_31 : memref<1x157x128xi32, #tpu.memory_space<hbm>> -> memref<157x128xi32, #tpu.memory_space<hbm>>
      tpu.wait_dma2 semaphore(%run_scoped3A : memref<!tpu.dma_semaphore, #tpu.memory_space<semaphore_mem>>) src(%dma_wait3A_32 : memref<157x128xi32, #tpu.memory_space<hbm>>) dst(%arg8 : memref<157x128xi32, #tpu.memory_space<vmem>>)
      tpu.yield
    }) : () -> ()
    %mul3A_1 = arith.constant 625 : i32
    %mul3A_2 = arith.muli %arg1, %mul3A_1 : i32
    %mul3A_3 = arith.constant 625 : i32
    %mul3A_4 = arith.muli %arg1, %mul3A_3 : i32
    "tpu.region"() ({
      %run_scoped3A = tpu.sem_alloc : memref<!tpu.dma_semaphore, #tpu.memory_space<semaphore_mem>>
      %dma_start3A = arith.constant 0 : i32
      %dma_start3A_19 = tpu.memref_slice %arg11[%mul3A_4, %dma_start3A] : memref<10000x64xf32, #tpu.memory_space<vmem_shared>> -> memref<625x64xf32, #tpu.memory_space<vmem_shared>>
      %dma_start3A_20 = arith.constant 0 : i32
      %dma_start3A_21 = tpu.memref_slice %arg2[%mul3A_2, %dma_start3A_20] : memref<10000x64xf32, #tpu.memory_space<hbm>> -> memref<625x64xf32, #tpu.memory_space<hbm>>
      tpu.enqueue_dma source(%dma_start3A_21 : memref<625x64xf32, #tpu.memory_space<hbm>>) target(%dma_start3A_19 : memref<625x64xf32, #tpu.memory_space<vmem_shared>>) target_semaphore(%run_scoped3A : memref<!tpu.dma_semaphore, #tpu.memory_space<semaphore_mem>>)
      %dma_wait3A = arith.constant 0 : i32
      %dma_wait3A_22 = tpu.memref_slice %arg11[%mul3A_4, %dma_wait3A] : memref<10000x64xf32, #tpu.memory_space<vmem_shared>> -> memref<625x64xf32, #tpu.memory_space<vmem_shared>>
      %dma_wait3A_23 = arith.constant 0 : i32
      %dma_wait3A_24 = tpu.memref_slice %arg2[%mul3A_2, %dma_wait3A_23] : memref<10000x64xf32, #tpu.memory_space<hbm>> -> memref<625x64xf32, #tpu.memory_space<hbm>>
      tpu.wait_dma2 semaphore(%run_scoped3A : memref<!tpu.dma_semaphore, #tpu.memory_space<semaphore_mem>>) src(%dma_wait3A_24 : memref<625x64xf32, #tpu.memory_space<hbm>>) dst(%dma_wait3A_22 : memref<625x64xf32, #tpu.memory_space<vmem_shared>>)
      tpu.yield
    }) : () -> ()
    %mul3A_5 = arith.constant 640 : i32
    %mul3A_6 = arith.muli %arg1, %mul3A_5 : i32
    %mul3A_7 = arith.constant 640 : i32
    %mul3A_8 = arith.muli %arg1, %mul3A_7 : i32
    "tpu.region"() ({
      %run_scoped3A = tpu.sem_alloc : memref<!tpu.dma_semaphore, #tpu.memory_space<semaphore_mem>>
      %dma_start3A = arith.constant 0 : i32
      %dma_start3A_19 = tpu.memref_slice %arg10[%mul3A_8, %dma_start3A] : memref<10240x64xf32, #tpu.memory_space<vmem_shared>> -> memref<640x64xf32, #tpu.memory_space<vmem_shared>>
      %dma_start3A_20 = arith.constant 0 : i32
      %dma_start3A_21 = tpu.memref_slice %arg5[%mul3A_6, %dma_start3A_20] : memref<10240x64xf32, #tpu.memory_space<hbm>> -> memref<640x64xf32, #tpu.memory_space<hbm>>
      tpu.enqueue_dma source(%dma_start3A_21 : memref<640x64xf32, #tpu.memory_space<hbm>>) target(%dma_start3A_19 : memref<640x64xf32, #tpu.memory_space<vmem_shared>>) target_semaphore(%run_scoped3A : memref<!tpu.dma_semaphore, #tpu.memory_space<semaphore_mem>>)
      %dma_wait3A = arith.constant 0 : i32
      %dma_wait3A_22 = tpu.memref_slice %arg10[%mul3A_8, %dma_wait3A] : memref<10240x64xf32, #tpu.memory_space<vmem_shared>> -> memref<640x64xf32, #tpu.memory_space<vmem_shared>>
      %dma_wait3A_23 = arith.constant 0 : i32
      %dma_wait3A_24 = tpu.memref_slice %arg5[%mul3A_6, %dma_wait3A_23] : memref<10240x64xf32, #tpu.memory_space<hbm>> -> memref<640x64xf32, #tpu.memory_space<hbm>>
      tpu.wait_dma2 semaphore(%run_scoped3A : memref<!tpu.dma_semaphore, #tpu.memory_space<semaphore_mem>>) src(%dma_wait3A_24 : memref<640x64xf32, #tpu.memory_space<hbm>>) dst(%dma_wait3A_22 : memref<640x64xf32, #tpu.memory_space<vmem_shared>>)
      tpu.yield
    }) : () -> ()
    %barrier3A = arith.constant 0 : index
    tpu.barrier barrier_id(%barrier3A)
    %scan3A = arith.constant 0 : i32
    %scan3A_9 = arith.constant 0 : i32
    %scan3A_10 = arith.constant 157 : i32
    %scan3A_11 = arith.addi %scan3A_9, %scan3A_10 : i32
    %scan3A_12 = arith.constant 1 : i32
    scf.for %scan3A_19 = %scan3A_9 to %scan3A_11 step %scan3A_12  : i32 {
      %dma_start3A = arith.constant 0 : i32
      %dma_start3A_20 = tpu.memref_slice %arg7[%scan3A_19, %dma_start3A] : memref<157x128xi32, #tpu.memory_space<vmem>> -> memref<1x128xi32, #tpu.memory_space<vmem>>
      %dma_start3A_21 = tpu.memref_squeeze %dma_start3A_20 : memref<1x128xi32, #tpu.memory_space<vmem>> -> memref<128xi32, #tpu.memory_space<vmem>>
      %dma_start3A_22 = arith.constant 0 : i32
      %dma_start3A_23 = arith.constant 0 : i32
      %dma_start3A_24 = tpu.memref_slice %arg11[%dma_start3A_22, %dma_start3A_23] : memref<10000x64xf32, #tpu.memory_space<vmem_shared>> -> memref<10000x64xf32, #tpu.memory_space<vmem_shared>>
      tpu.enqueue_indirect_dma source(%dma_start3A_24 : memref<10000x64xf32, #tpu.memory_space<vmem_shared>>) target(%arg9 : memref<128x64xf32, #tpu.memory_space<vmem>>) offsets(%dma_start3A_21 : memref<128xi32, #tpu.memory_space<vmem>>) semaphore(%arg12 : memref<!tpu.dma_semaphore, #tpu.memory_space<semaphore_mem>>)
      %dma_wait3A = arith.constant 0 : i32
      %dma_wait3A_25 = tpu.memref_slice %arg7[%scan3A_19, %dma_wait3A] : memref<157x128xi32, #tpu.memory_space<vmem>> -> memref<1x128xi32, #tpu.memory_space<vmem>>
      %dma_wait3A_26 = tpu.memref_squeeze %dma_wait3A_25 : memref<1x128xi32, #tpu.memory_space<vmem>> -> memref<128xi32, #tpu.memory_space<vmem>>
      %dma_wait3A_27 = arith.constant 0 : i32
      %dma_wait3A_28 = arith.constant 0 : i32
      %dma_wait3A_29 = tpu.memref_slice %arg11[%dma_wait3A_27, %dma_wait3A_28] : memref<10000x64xf32, #tpu.memory_space<vmem_shared>> -> memref<10000x64xf32, #tpu.memory_space<vmem_shared>>
      tpu.wait_indirect_dma semaphore(%arg12 : memref<!tpu.dma_semaphore, #tpu.memory_space<semaphore_mem>>) src(%dma_wait3A_29 : memref<10000x64xf32, #tpu.memory_space<vmem_shared>>) dst(%arg9 : memref<128x64xf32, #tpu.memory_space<vmem>>)
      "tpu.region"() ({
        %run_scoped3A = tpu.sem_alloc : memref<!tpu.dma_semaphore, #tpu.memory_space<semaphore_mem>>
        %dma_start3A_30 = arith.constant 0 : i32
        %dma_start3A_31 = tpu.memref_slice %arg8[%scan3A_19, %dma_start3A_30] : memref<157x128xi32, #tpu.memory_space<vmem>> -> memref<1x128xi32, #tpu.memory_space<vmem>>
        %dma_start3A_32 = tpu.memref_squeeze %dma_start3A_31 : memref<1x128xi32, #tpu.memory_space<vmem>> -> memref<128xi32, #tpu.memory_space<vmem>>
        %dma_start3A_33 = arith.constant 0 : i32
        %dma_start3A_34 = arith.constant 0 : i32
        %dma_start3A_35 = tpu.memref_slice %arg10[%dma_start3A_33, %dma_start3A_34] : memref<10240x64xf32, #tpu.memory_space<vmem_shared>> -> memref<10240x64xf32, #tpu.memory_space<vmem_shared>>
        tpu.enqueue_indirect_dma source(%arg9 : memref<128x64xf32, #tpu.memory_space<vmem>>) target(%dma_start3A_35 : memref<10240x64xf32, #tpu.memory_space<vmem_shared>>) offsets(%dma_start3A_32 : memref<128xi32, #tpu.memory_space<vmem>>) semaphore(%run_scoped3A : memref<!tpu.dma_semaphore, #tpu.memory_space<semaphore_mem>>) {add = true}
        %dma_wait3A_36 = arith.constant 0 : i32
        %dma_wait3A_37 = tpu.memref_slice %arg8[%scan3A_19, %dma_wait3A_36] : memref<157x128xi32, #tpu.memory_space<vmem>> -> memref<1x128xi32, #tpu.memory_space<vmem>>
        %dma_wait3A_38 = tpu.memref_squeeze %dma_wait3A_37 : memref<1x128xi32, #tpu.memory_space<vmem>> -> memref<128xi32, #tpu.memory_space<vmem>>
        %dma_wait3A_39 = arith.constant 0 : i32
        %dma_wait3A_40 = arith.constant 0 : i32
        %dma_wait3A_41 = tpu.memref_slice %arg10[%dma_wait3A_39, %dma_wait3A_40] : memref<10240x64xf32, #tpu.memory_space<vmem_shared>> -> memref<10240x64xf32, #tpu.memory_space<vmem_shared>>
        tpu.wait_indirect_dma semaphore(%run_scoped3A : memref<!tpu.dma_semaphore, #tpu.memory_space<semaphore_mem>>) src(%arg9 : memref<128x64xf32, #tpu.memory_space<vmem>>) dst(%dma_wait3A_41 : memref<10240x64xf32, #tpu.memory_space<vmem_shared>>)
        tpu.yield
      }) : () -> ()
    }
    %scan3A_13 = arith.constant 157 : i32
    %barrier3A_14 = arith.constant 0 : index
    tpu.barrier barrier_id(%barrier3A_14)
    %mul3A_15 = arith.constant 640 : i32
    %mul3A_16 = arith.muli %arg1, %mul3A_15 : i32
    %mul3A_17 = arith.constant 640 : i32
    %mul3A_18 = arith.muli %arg1, %mul3A_17 : i32
    "tpu.region"() ({
      %run_scoped3A = tpu.sem_alloc : memref<!tpu.dma_semaphore, #tpu.memory_space<semaphore_mem>>
      %dma_start3A = arith.constant 0 : i32
      %dma_start3A_19 = arith.constant 0 : i32
      %dma_start3A_20 = tpu.memref_slice %arg6[%arg0, %dma_start3A, %dma_start3A_19] : memref<2x10240x64xf32, #tpu.memory_space<hbm>> -> memref<1x10240x64xf32, #tpu.memory_space<hbm>>
      %dma_start3A_21 = tpu.memref_squeeze %dma_start3A_20 : memref<1x10240x64xf32, #tpu.memory_space<hbm>> -> memref<10240x64xf32, #tpu.memory_space<hbm>>
      %dma_start3A_22 = arith.constant 0 : i32
      %dma_start3A_23 = tpu.memref_slice %dma_start3A_21[%mul3A_18, %dma_start3A_22] : memref<10240x64xf32, #tpu.memory_space<hbm>> -> memref<640x64xf32, #tpu.memory_space<hbm>>
      %dma_start3A_24 = arith.constant 0 : i32
      %dma_start3A_25 = tpu.memref_slice %arg10[%mul3A_16, %dma_start3A_24] : memref<10240x64xf32, #tpu.memory_space<vmem_shared>> -> memref<640x64xf32, #tpu.memory_space<vmem_shared>>
      tpu.enqueue_dma source(%dma_start3A_25 : memref<640x64xf32, #tpu.memory_space<vmem_shared>>) target(%dma_start3A_23 : memref<640x64xf32, #tpu.memory_space<hbm>>) target_semaphore(%run_scoped3A : memref<!tpu.dma_semaphore, #tpu.memory_space<semaphore_mem>>)
      %dma_wait3A = arith.constant 0 : i32
      %dma_wait3A_26 = arith.constant 0 : i32
      %dma_wait3A_27 = tpu.memref_slice %arg6[%arg0, %dma_wait3A, %dma_wait3A_26] : memref<2x10240x64xf32, #tpu.memory_space<hbm>> -> memref<1x10240x64xf32, #tpu.memory_space<hbm>>
      %dma_wait3A_28 = tpu.memref_squeeze %dma_wait3A_27 : memref<1x10240x64xf32, #tpu.memory_space<hbm>> -> memref<10240x64xf32, #tpu.memory_space<hbm>>
      %dma_wait3A_29 = arith.constant 0 : i32
      %dma_wait3A_30 = tpu.memref_slice %dma_wait3A_28[%mul3A_18, %dma_wait3A_29] : memref<10240x64xf32, #tpu.memory_space<hbm>> -> memref<640x64xf32, #tpu.memory_space<hbm>>
      %dma_wait3A_31 = arith.constant 0 : i32
      %dma_wait3A_32 = tpu.memref_slice %arg10[%mul3A_16, %dma_wait3A_31] : memref<10240x64xf32, #tpu.memory_space<vmem_shared>> -> memref<640x64xf32, #tpu.memory_space<vmem_shared>>
      tpu.wait_dma2 semaphore(%run_scoped3A : memref<!tpu.dma_semaphore, #tpu.memory_space<semaphore_mem>>) src(%dma_wait3A_32 : memref<640x64xf32, #tpu.memory_space<vmem_shared>>) dst(%dma_wait3A_30 : memref<640x64xf32, #tpu.memory_space<hbm>>)
      tpu.yield
    }) : () -> ()
    return
  }
}

#map = affine_map<(d0, d1) -> (0, 0)>
#map1 = affine_map<(d0, d1) -> (0, 0, 0)>
module attributes {stable_mosaic.version = 14 : i64} {
  func.func @_mp_kernel(%arg0: i32, %arg1: i32, %arg2: memref<10000x64xf32, #tpu.memory_space<hbm>>, %arg3: memref<32x157x128xi32, #tpu.memory_space<hbm>>, %arg4: memref<32x157x128xi32, #tpu.memory_space<hbm>>, %arg5: memref<10240x64xf32, #tpu.memory_space<hbm>>, %arg6: memref<2x10240x64xf32, #tpu.memory_space<hbm>>, %arg7: memref<157x128xi32, #tpu.memory_space<vmem>>, %arg8: memref<157x128xi32, #tpu.memory_space<vmem>>, %arg9: memref<128x64xf32, #tpu.memory_space<vmem>>, %arg10: memref<10240x64xf32, #tpu.memory_space<vmem_shared>>, %arg11: memref<10000x64xf32, #tpu.memory_space<vmem_shared>>, %arg12: memref<!tpu.dma_semaphore, #tpu.memory_space<semaphore_mem>>) attributes {dimension_semantics = [#tpu.dimension_semantics<core_parallel>, #tpu.dimension_semantics<subcore_parallel>], iteration_bounds = array<i64: 2, 16>, scalar_prefetch = 0 : i64, scratch_operands = 6 : i64, tpu.core_type = #tpu.core_type<sc_vector_subcore>, window_params = [{transform_indices = #map}, {transform_indices = #map1}, {transform_indices = #map1}, {transform_indices = #map}, {transform_indices = #map1}]} {
    %mul3A = arith.constant 2 : i32
    %mul3A_0 = arith.muli %arg1, %mul3A : i32
    %add3A = arith.addi %mul3A_0, %arg0 : i32
    "tpu.region"() ({
      %run_scoped3A = tpu.sem_alloc : memref<!tpu.dma_semaphore, #tpu.memory_space<semaphore_mem>>
      %dma_start3A = arith.constant 0 : i32
      %dma_start3A_19 = arith.constant 0 : i32
      %dma_start3A_20 = tpu.memref_slice %arg3[%add3A, %dma_start3A, %dma_start3A_19] : memref<32x157x128xi32, #tpu.memory_space<hbm>> -> memref<1x157x128xi32, #tpu.memory_space<hbm>>
      %dma_start3A_21 = tpu.memref_squeeze %dma_start3A_20 : memref<1x157x128xi32, #tpu.memory_space<hbm>> -> memref<157x128xi32, #tpu.memory_space<hbm>>
      %dma_start3A_22 = arith.constant 0 : i32
      %dma_start3A_23 = arith.constant 0 : i32
      %dma_start3A_24 = tpu.memref_slice %arg3[%add3A, %dma_start3A_22, %dma_start3A_23] : memref<32x157x128xi32, #tpu.memory_space<hbm>> -> memref<1x157x128xi32, #tpu.memory_space<hbm>>
      %dma_start3A_25 = tpu.memref_squeeze %dma_start3A_24 : memref<1x157x128xi32, #tpu.memory_space<hbm>> -> memref<157x128xi32, #tpu.memory_space<hbm>>
      tpu.enqueue_dma source(%dma_start3A_25 : memref<157x128xi32, #tpu.memory_space<hbm>>) target(%arg7 : memref<157x128xi32, #tpu.memory_space<vmem>>) target_semaphore(%run_scoped3A : memref<!tpu.dma_semaphore, #tpu.memory_space<semaphore_mem>>)
      %dma_wait3A = arith.constant 0 : i32
      %dma_wait3A_26 = arith.constant 0 : i32
      %dma_wait3A_27 = tpu.memref_slice %arg3[%add3A, %dma_wait3A, %dma_wait3A_26] : memref<32x157x128xi32, #tpu.memory_space<hbm>> -> memref<1x157x128xi32, #tpu.memory_space<hbm>>
      %dma_wait3A_28 = tpu.memref_squeeze %dma_wait3A_27 : memref<1x157x128xi32, #tpu.memory_space<hbm>> -> memref<157x128xi32, #tpu.memory_space<hbm>>
      %dma_wait3A_29 = arith.constant 0 : i32
      %dma_wait3A_30 = arith.constant 0 : i32
      %dma_wait3A_31 = tpu.memref_slice %arg3[%add3A, %dma_wait3A_29, %dma_wait3A_30] : memref<32x157x128xi32, #tpu.memory_space<hbm>> -> memref<1x157x128xi32, #tpu.memory_space<hbm>>
      %dma_wait3A_32 = tpu.memref_squeeze %dma_wait3A_31 : memref<1x157x128xi32, #tpu.memory_space<hbm>> -> memref<157x128xi32, #tpu.memory_space<hbm>>
      tpu.wait_dma2 semaphore(%run_scoped3A : memref<!tpu.dma_semaphore, #tpu.memory_space<semaphore_mem>>) src(%dma_wait3A_32 : memref<157x128xi32, #tpu.memory_space<hbm>>) dst(%arg7 : memref<157x128xi32, #tpu.memory_space<vmem>>)
      tpu.yield
    }) : () -> ()
    "tpu.region"() ({
      %run_scoped3A = tpu.sem_alloc : memref<!tpu.dma_semaphore, #tpu.memory_space<semaphore_mem>>
      %dma_start3A = arith.constant 0 : i32
      %dma_start3A_19 = arith.constant 0 : i32
      %dma_start3A_20 = tpu.memref_slice %arg4[%add3A, %dma_start3A, %dma_start3A_19] : memref<32x157x128xi32, #tpu.memory_space<hbm>> -> memref<1x157x128xi32, #tpu.memory_space<hbm>>
      %dma_start3A_21 = tpu.memref_squeeze %dma_start3A_20 : memref<1x157x128xi32, #tpu.memory_space<hbm>> -> memref<157x128xi32, #tpu.memory_space<hbm>>
      %dma_start3A_22 = arith.constant 0 : i32
      %dma_start3A_23 = arith.constant 0 : i32
      %dma_start3A_24 = tpu.memref_slice %arg4[%add3A, %dma_start3A_22, %dma_start3A_23] : memref<32x157x128xi32, #tpu.memory_space<hbm>> -> memref<1x157x128xi32, #tpu.memory_space<hbm>>
      %dma_start3A_25 = tpu.memref_squeeze %dma_start3A_24 : memref<1x157x128xi32, #tpu.memory_space<hbm>> -> memref<157x128xi32, #tpu.memory_space<hbm>>
      tpu.enqueue_dma source(%dma_start3A_25 : memref<157x128xi32, #tpu.memory_space<hbm>>) target(%arg8 : memref<157x128xi32, #tpu.memory_space<vmem>>) target_semaphore(%run_scoped3A : memref<!tpu.dma_semaphore, #tpu.memory_space<semaphore_mem>>)
      %dma_wait3A = arith.constant 0 : i32
      %dma_wait3A_26 = arith.constant 0 : i32
      %dma_wait3A_27 = tpu.memref_slice %arg4[%add3A, %dma_wait3A, %dma_wait3A_26] : memref<32x157x128xi32, #tpu.memory_space<hbm>> -> memref<1x157x128xi32, #tpu.memory_space<hbm>>
      %dma_wait3A_28 = tpu.memref_squeeze %dma_wait3A_27 : memref<1x157x128xi32, #tpu.memory_space<hbm>> -> memref<157x128xi32, #tpu.memory_space<hbm>>
      %dma_wait3A_29 = arith.constant 0 : i32
      %dma_wait3A_30 = arith.constant 0 : i32
      %dma_wait3A_31 = tpu.memref_slice %arg4[%add3A, %dma_wait3A_29, %dma_wait3A_30] : memref<32x157x128xi32, #tpu.memory_space<hbm>> -> memref<1x157x128xi32, #tpu.memory_space<hbm>>
      %dma_wait3A_32 = tpu.memref_squeeze %dma_wait3A_31 : memref<1x157x128xi32, #tpu.memory_space<hbm>> -> memref<157x128xi32, #tpu.memory_space<hbm>>
      tpu.wait_dma2 semaphore(%run_scoped3A : memref<!tpu.dma_semaphore, #tpu.memory_space<semaphore_mem>>) src(%dma_wait3A_32 : memref<157x128xi32, #tpu.memory_space<hbm>>) dst(%arg8 : memref<157x128xi32, #tpu.memory_space<vmem>>)
      tpu.yield
    }) : () -> ()
    %mul3A_1 = arith.constant 625 : i32
    %mul3A_2 = arith.muli %arg1, %mul3A_1 : i32
    %mul3A_3 = arith.constant 625 : i32
    %mul3A_4 = arith.muli %arg1, %mul3A_3 : i32
    "tpu.region"() ({
      %run_scoped3A = tpu.sem_alloc : memref<!tpu.dma_semaphore, #tpu.memory_space<semaphore_mem>>
      %dma_start3A = arith.constant 0 : i32
      %dma_start3A_19 = tpu.memref_slice %arg11[%mul3A_4, %dma_start3A] : memref<10000x64xf32, #tpu.memory_space<vmem_shared>> -> memref<625x64xf32, #tpu.memory_space<vmem_shared>>
      %dma_start3A_20 = arith.constant 0 : i32
      %dma_start3A_21 = tpu.memref_slice %arg2[%mul3A_2, %dma_start3A_20] : memref<10000x64xf32, #tpu.memory_space<hbm>> -> memref<625x64xf32, #tpu.memory_space<hbm>>
      tpu.enqueue_dma source(%dma_start3A_21 : memref<625x64xf32, #tpu.memory_space<hbm>>) target(%dma_start3A_19 : memref<625x64xf32, #tpu.memory_space<vmem_shared>>) target_semaphore(%run_scoped3A : memref<!tpu.dma_semaphore, #tpu.memory_space<semaphore_mem>>)
      %dma_wait3A = arith.constant 0 : i32
      %dma_wait3A_22 = tpu.memref_slice %arg11[%mul3A_4, %dma_wait3A] : memref<10000x64xf32, #tpu.memory_space<vmem_shared>> -> memref<625x64xf32, #tpu.memory_space<vmem_shared>>
      %dma_wait3A_23 = arith.constant 0 : i32
      %dma_wait3A_24 = tpu.memref_slice %arg2[%mul3A_2, %dma_wait3A_23] : memref<10000x64xf32, #tpu.memory_space<hbm>> -> memref<625x64xf32, #tpu.memory_space<hbm>>
      tpu.wait_dma2 semaphore(%run_scoped3A : memref<!tpu.dma_semaphore, #tpu.memory_space<semaphore_mem>>) src(%dma_wait3A_24 : memref<625x64xf32, #tpu.memory_space<hbm>>) dst(%dma_wait3A_22 : memref<625x64xf32, #tpu.memory_space<vmem_shared>>)
      tpu.yield
    }) : () -> ()
    %mul3A_5 = arith.constant 640 : i32
    %mul3A_6 = arith.muli %arg1, %mul3A_5 : i32
    %mul3A_7 = arith.constant 640 : i32
    %mul3A_8 = arith.muli %arg1, %mul3A_7 : i32
    "tpu.region"() ({
      %run_scoped3A = tpu.sem_alloc : memref<!tpu.dma_semaphore, #tpu.memory_space<semaphore_mem>>
      %dma_start3A = arith.constant 0 : i32
      %dma_start3A_19 = tpu.memref_slice %arg10[%mul3A_8, %dma_start3A] : memref<10240x64xf32, #tpu.memory_space<vmem_shared>> -> memref<640x64xf32, #tpu.memory_space<vmem_shared>>
      %dma_start3A_20 = arith.constant 0 : i32
      %dma_start3A_21 = tpu.memref_slice %arg5[%mul3A_6, %dma_start3A_20] : memref<10240x64xf32, #tpu.memory_space<hbm>> -> memref<640x64xf32, #tpu.memory_space<hbm>>
      tpu.enqueue_dma source(%dma_start3A_21 : memref<640x64xf32, #tpu.memory_space<hbm>>) target(%dma_start3A_19 : memref<640x64xf32, #tpu.memory_space<vmem_shared>>) target_semaphore(%run_scoped3A : memref<!tpu.dma_semaphore, #tpu.memory_space<semaphore_mem>>)
      %dma_wait3A = arith.constant 0 : i32
      %dma_wait3A_22 = tpu.memref_slice %arg10[%mul3A_8, %dma_wait3A] : memref<10240x64xf32, #tpu.memory_space<vmem_shared>> -> memref<640x64xf32, #tpu.memory_space<vmem_shared>>
      %dma_wait3A_23 = arith.constant 0 : i32
      %dma_wait3A_24 = tpu.memref_slice %arg5[%mul3A_6, %dma_wait3A_23] : memref<10240x64xf32, #tpu.memory_space<hbm>> -> memref<640x64xf32, #tpu.memory_space<hbm>>
      tpu.wait_dma2 semaphore(%run_scoped3A : memref<!tpu.dma_semaphore, #tpu.memory_space<semaphore_mem>>) src(%dma_wait3A_24 : memref<640x64xf32, #tpu.memory_space<hbm>>) dst(%dma_wait3A_22 : memref<640x64xf32, #tpu.memory_space<vmem_shared>>)
      tpu.yield
    }) : () -> ()
    %barrier3A = arith.constant 0 : index
    tpu.barrier barrier_id(%barrier3A)
    %scan3A = arith.constant 0 : i32
    %scan3A_9 = arith.constant 0 : i32
    %scan3A_10 = arith.constant 157 : i32
    %scan3A_11 = arith.addi %scan3A_9, %scan3A_10 : i32
    %scan3A_12 = arith.constant 1 : i32
    scf.for %scan3A_19 = %scan3A_9 to %scan3A_11 step %scan3A_12  : i32 {
      %dma_start3A = arith.constant 0 : i32
      %dma_start3A_20 = tpu.memref_slice %arg7[%scan3A_19, %dma_start3A] : memref<157x128xi32, #tpu.memory_space<vmem>> -> memref<1x128xi32, #tpu.memory_space<vmem>>
      %dma_start3A_21 = tpu.memref_squeeze %dma_start3A_20 : memref<1x128xi32, #tpu.memory_space<vmem>> -> memref<128xi32, #tpu.memory_space<vmem>>
      %dma_start3A_22 = arith.constant 0 : i32
      %dma_start3A_23 = arith.constant 0 : i32
      %dma_start3A_24 = tpu.memref_slice %arg11[%dma_start3A_22, %dma_start3A_23] : memref<10000x64xf32, #tpu.memory_space<vmem_shared>> -> memref<10000x64xf32, #tpu.memory_space<vmem_shared>>
      tpu.enqueue_indirect_dma source(%dma_start3A_24 : memref<10000x64xf32, #tpu.memory_space<vmem_shared>>) target(%arg9 : memref<128x64xf32, #tpu.memory_space<vmem>>) offsets(%dma_start3A_21 : memref<128xi32, #tpu.memory_space<vmem>>) semaphore(%arg12 : memref<!tpu.dma_semaphore, #tpu.memory_space<semaphore_mem>>)
      %dma_wait3A = arith.constant 0 : i32
      %dma_wait3A_25 = tpu.memref_slice %arg7[%scan3A_19, %dma_wait3A] : memref<157x128xi32, #tpu.memory_space<vmem>> -> memref<1x128xi32, #tpu.memory_space<vmem>>
      %dma_wait3A_26 = tpu.memref_squeeze %dma_wait3A_25 : memref<1x128xi32, #tpu.memory_space<vmem>> -> memref<128xi32, #tpu.memory_space<vmem>>
      %dma_wait3A_27 = arith.constant 0 : i32
      %dma_wait3A_28 = arith.constant 0 : i32
      %dma_wait3A_29 = tpu.memref_slice %arg11[%dma_wait3A_27, %dma_wait3A_28] : memref<10000x64xf32, #tpu.memory_space<vmem_shared>> -> memref<10000x64xf32, #tpu.memory_space<vmem_shared>>
      tpu.wait_indirect_dma semaphore(%arg12 : memref<!tpu.dma_semaphore, #tpu.memory_space<semaphore_mem>>) src(%dma_wait3A_29 : memref<10000x64xf32, #tpu.memory_space<vmem_shared>>) dst(%arg9 : memref<128x64xf32, #tpu.memory_space<vmem>>)
      "tpu.region"() ({
        %run_scoped3A = tpu.sem_alloc : memref<!tpu.dma_semaphore, #tpu.memory_space<semaphore_mem>>
        %dma_start3A_30 = arith.constant 0 : i32
        %dma_start3A_31 = tpu.memref_slice %arg8[%scan3A_19, %dma_start3A_30] : memref<157x128xi32, #tpu.memory_space<vmem>> -> memref<1x128xi32, #tpu.memory_space<vmem>>
        %dma_start3A_32 = tpu.memref_squeeze %dma_start3A_31 : memref<1x128xi32, #tpu.memory_space<vmem>> -> memref<128xi32, #tpu.memory_space<vmem>>
        %dma_start3A_33 = arith.constant 0 : i32
        %dma_start3A_34 = arith.constant 0 : i32
        %dma_start3A_35 = tpu.memref_slice %arg10[%dma_start3A_33, %dma_start3A_34] : memref<10240x64xf32, #tpu.memory_space<vmem_shared>> -> memref<10240x64xf32, #tpu.memory_space<vmem_shared>>
        tpu.enqueue_indirect_dma source(%arg9 : memref<128x64xf32, #tpu.memory_space<vmem>>) target(%dma_start3A_35 : memref<10240x64xf32, #tpu.memory_space<vmem_shared>>) offsets(%dma_start3A_32 : memref<128xi32, #tpu.memory_space<vmem>>) semaphore(%run_scoped3A : memref<!tpu.dma_semaphore, #tpu.memory_space<semaphore_mem>>) {add = true}
        %dma_wait3A_36 = arith.constant 0 : i32
        %dma_wait3A_37 = tpu.memref_slice %arg8[%scan3A_19, %dma_wait3A_36] : memref<157x128xi32, #tpu.memory_space<vmem>> -> memref<1x128xi32, #tpu.memory_space<vmem>>
        %dma_wait3A_38 = tpu.memref_squeeze %dma_wait3A_37 : memref<1x128xi32, #tpu.memory_space<vmem>> -> memref<128xi32, #tpu.memory_space<vmem>>
        %dma_wait3A_39 = arith.constant 0 : i32
        %dma_wait3A_40 = arith.constant 0 : i32
        %dma_wait3A_41 = tpu.memref_slice %arg10[%dma_wait3A_39, %dma_wait3A_40] : memref<10240x64xf32, #tpu.memory_space<vmem_shared>> -> memref<10240x64xf32, #tpu.memory_space<vmem_shared>>
        tpu.wait_indirect_dma semaphore(%run_scoped3A : memref<!tpu.dma_semaphore, #tpu.memory_space<semaphore_mem>>) src(%arg9 : memref<128x64xf32, #tpu.memory_space<vmem>>) dst(%dma_wait3A_41 : memref<10240x64xf32, #tpu.memory_space<vmem_shared>>)
        tpu.yield
      }) : () -> ()
    }
    %scan3A_13 = arith.constant 157 : i32
    %barrier3A_14 = arith.constant 0 : index
    tpu.barrier barrier_id(%barrier3A_14)
    %mul3A_15 = arith.constant 640 : i32
    %mul3A_16 = arith.muli %arg1, %mul3A_15 : i32
    %mul3A_17 = arith.constant 640 : i32
    %mul3A_18 = arith.muli %arg1, %mul3A_17 : i32
    "tpu.region"() ({
      %run_scoped3A = tpu.sem_alloc : memref<!tpu.dma_semaphore, #tpu.memory_space<semaphore_mem>>
      %dma_start3A = arith.constant 0 : i32
      %dma_start3A_19 = arith.constant 0 : i32
      %dma_start3A_20 = tpu.memref_slice %arg6[%arg0, %dma_start3A, %dma_start3A_19] : memref<2x10240x64xf32, #tpu.memory_space<hbm>> -> memref<1x10240x64xf32, #tpu.memory_space<hbm>>
      %dma_start3A_21 = tpu.memref_squeeze %dma_start3A_20 : memref<1x10240x64xf32, #tpu.memory_space<hbm>> -> memref<10240x64xf32, #tpu.memory_space<hbm>>
      %dma_start3A_22 = arith.constant 0 : i32
      %dma_start3A_23 = tpu.memref_slice %dma_start3A_21[%mul3A_18, %dma_start3A_22] : memref<10240x64xf32, #tpu.memory_space<hbm>> -> memref<640x64xf32, #tpu.memory_space<hbm>>
      %dma_start3A_24 = arith.constant 0 : i32
      %dma_start3A_25 = tpu.memref_slice %arg10[%mul3A_16, %dma_start3A_24] : memref<10240x64xf32, #tpu.memory_space<vmem_shared>> -> memref<640x64xf32, #tpu.memory_space<vmem_shared>>
      tpu.enqueue_dma source(%dma_start3A_25 : memref<640x64xf32, #tpu.memory_space<vmem_shared>>) target(%dma_start3A_23 : memref<640x64xf32, #tpu.memory_space<hbm>>) target_semaphore(%run_scoped3A : memref<!tpu.dma_semaphore, #tpu.memory_space<semaphore_mem>>)
      %dma_wait3A = arith.constant 0 : i32
      %dma_wait3A_26 = arith.constant 0 : i32
      %dma_wait3A_27 = tpu.memref_slice %arg6[%arg0, %dma_wait3A, %dma_wait3A_26] : memref<2x10240x64xf32, #tpu.memory_space<hbm>> -> memref<1x10240x64xf32, #tpu.memory_space<hbm>>
      %dma_wait3A_28 = tpu.memref_squeeze %dma_wait3A_27 : memref<1x10240x64xf32, #tpu.memory_space<hbm>> -> memref<10240x64xf32, #tpu.memory_space<hbm>>
      %dma_wait3A_29 = arith.constant 0 : i32
      %dma_wait3A_30 = tpu.memref_slice %dma_wait3A_28[%mul3A_18, %dma_wait3A_29] : memref<10240x64xf32, #tpu.memory_space<hbm>> -> memref<640x64xf32, #tpu.memory_space<hbm>>
      %dma_wait3A_31 = arith.constant 0 : i32
      %dma_wait3A_32 = tpu.memref_slice %arg10[%mul3A_16, %dma_wait3A_31] : memref<10240x64xf32, #tpu.memory_space<vmem_shared>> -> memref<640x64xf32, #tpu.memory_space<vmem_shared>>
      tpu.wait_dma2 semaphore(%run_scoped3A : memref<!tpu.dma_semaphore, #tpu.memory_space<semaphore_mem>>) src(%dma_wait3A_32 : memref<640x64xf32, #tpu.memory_space<vmem_shared>>) dst(%dma_wait3A_30 : memref<640x64xf32, #tpu.memory_space<hbm>>)
      tpu.yield
    }) : () -> ()
    return
  }
}

#map = affine_map<(d0, d1) -> (0, 0)>
#map1 = affine_map<(d0, d1) -> (0, 0, 0)>
module attributes {stable_mosaic.version = 14 : i64} {
  func.func @_mp_kernel(%arg0: i32, %arg1: i32, %arg2: memref<10000x64xf32, #tpu.memory_space<hbm>>, %arg3: memref<32x157x128xi32, #tpu.memory_space<hbm>>, %arg4: memref<32x157x128xi32, #tpu.memory_space<hbm>>, %arg5: memref<10240x64xf32, #tpu.memory_space<hbm>>, %arg6: memref<2x10240x64xf32, #tpu.memory_space<hbm>>, %arg7: memref<157x128xi32, #tpu.memory_space<vmem>>, %arg8: memref<157x128xi32, #tpu.memory_space<vmem>>, %arg9: memref<128x64xf32, #tpu.memory_space<vmem>>, %arg10: memref<10240x64xf32, #tpu.memory_space<vmem_shared>>, %arg11: memref<10000x64xf32, #tpu.memory_space<vmem_shared>>, %arg12: memref<!tpu.dma_semaphore, #tpu.memory_space<semaphore_mem>>) attributes {dimension_semantics = [#tpu.dimension_semantics<core_parallel>, #tpu.dimension_semantics<subcore_parallel>], iteration_bounds = array<i64: 2, 16>, scalar_prefetch = 0 : i64, scratch_operands = 6 : i64, tpu.core_type = #tpu.core_type<sc_vector_subcore>, window_params = [{transform_indices = #map}, {transform_indices = #map1}, {transform_indices = #map1}, {transform_indices = #map}, {transform_indices = #map1}]} {
    %mul3A = arith.constant 2 : i32
    %mul3A_0 = arith.muli %arg1, %mul3A : i32
    %add3A = arith.addi %mul3A_0, %arg0 : i32
    "tpu.region"() ({
      %run_scoped3A = tpu.sem_alloc : memref<!tpu.dma_semaphore, #tpu.memory_space<semaphore_mem>>
      %dma_start3A = arith.constant 0 : i32
      %dma_start3A_19 = arith.constant 0 : i32
      %dma_start3A_20 = tpu.memref_slice %arg3[%add3A, %dma_start3A, %dma_start3A_19] : memref<32x157x128xi32, #tpu.memory_space<hbm>> -> memref<1x157x128xi32, #tpu.memory_space<hbm>>
      %dma_start3A_21 = tpu.memref_squeeze %dma_start3A_20 : memref<1x157x128xi32, #tpu.memory_space<hbm>> -> memref<157x128xi32, #tpu.memory_space<hbm>>
      %dma_start3A_22 = arith.constant 0 : i32
      %dma_start3A_23 = arith.constant 0 : i32
      %dma_start3A_24 = tpu.memref_slice %arg3[%add3A, %dma_start3A_22, %dma_start3A_23] : memref<32x157x128xi32, #tpu.memory_space<hbm>> -> memref<1x157x128xi32, #tpu.memory_space<hbm>>
      %dma_start3A_25 = tpu.memref_squeeze %dma_start3A_24 : memref<1x157x128xi32, #tpu.memory_space<hbm>> -> memref<157x128xi32, #tpu.memory_space<hbm>>
      tpu.enqueue_dma source(%dma_start3A_25 : memref<157x128xi32, #tpu.memory_space<hbm>>) target(%arg7 : memref<157x128xi32, #tpu.memory_space<vmem>>) target_semaphore(%run_scoped3A : memref<!tpu.dma_semaphore, #tpu.memory_space<semaphore_mem>>)
      %dma_wait3A = arith.constant 0 : i32
      %dma_wait3A_26 = arith.constant 0 : i32
      %dma_wait3A_27 = tpu.memref_slice %arg3[%add3A, %dma_wait3A, %dma_wait3A_26] : memref<32x157x128xi32, #tpu.memory_space<hbm>> -> memref<1x157x128xi32, #tpu.memory_space<hbm>>
      %dma_wait3A_28 = tpu.memref_squeeze %dma_wait3A_27 : memref<1x157x128xi32, #tpu.memory_space<hbm>> -> memref<157x128xi32, #tpu.memory_space<hbm>>
      %dma_wait3A_29 = arith.constant 0 : i32
      %dma_wait3A_30 = arith.constant 0 : i32
      %dma_wait3A_31 = tpu.memref_slice %arg3[%add3A, %dma_wait3A_29, %dma_wait3A_30] : memref<32x157x128xi32, #tpu.memory_space<hbm>> -> memref<1x157x128xi32, #tpu.memory_space<hbm>>
      %dma_wait3A_32 = tpu.memref_squeeze %dma_wait3A_31 : memref<1x157x128xi32, #tpu.memory_space<hbm>> -> memref<157x128xi32, #tpu.memory_space<hbm>>
      tpu.wait_dma2 semaphore(%run_scoped3A : memref<!tpu.dma_semaphore, #tpu.memory_space<semaphore_mem>>) src(%dma_wait3A_32 : memref<157x128xi32, #tpu.memory_space<hbm>>) dst(%arg7 : memref<157x128xi32, #tpu.memory_space<vmem>>)
      tpu.yield
    }) : () -> ()
    "tpu.region"() ({
      %run_scoped3A = tpu.sem_alloc : memref<!tpu.dma_semaphore, #tpu.memory_space<semaphore_mem>>
      %dma_start3A = arith.constant 0 : i32
      %dma_start3A_19 = arith.constant 0 : i32
      %dma_start3A_20 = tpu.memref_slice %arg4[%add3A, %dma_start3A, %dma_start3A_19] : memref<32x157x128xi32, #tpu.memory_space<hbm>> -> memref<1x157x128xi32, #tpu.memory_space<hbm>>
      %dma_start3A_21 = tpu.memref_squeeze %dma_start3A_20 : memref<1x157x128xi32, #tpu.memory_space<hbm>> -> memref<157x128xi32, #tpu.memory_space<hbm>>
      %dma_start3A_22 = arith.constant 0 : i32
      %dma_start3A_23 = arith.constant 0 : i32
      %dma_start3A_24 = tpu.memref_slice %arg4[%add3A, %dma_start3A_22, %dma_start3A_23] : memref<32x157x128xi32, #tpu.memory_space<hbm>> -> memref<1x157x128xi32, #tpu.memory_space<hbm>>
      %dma_start3A_25 = tpu.memref_squeeze %dma_start3A_24 : memref<1x157x128xi32, #tpu.memory_space<hbm>> -> memref<157x128xi32, #tpu.memory_space<hbm>>
      tpu.enqueue_dma source(%dma_start3A_25 : memref<157x128xi32, #tpu.memory_space<hbm>>) target(%arg8 : memref<157x128xi32, #tpu.memory_space<vmem>>) target_semaphore(%run_scoped3A : memref<!tpu.dma_semaphore, #tpu.memory_space<semaphore_mem>>)
      %dma_wait3A = arith.constant 0 : i32
      %dma_wait3A_26 = arith.constant 0 : i32
      %dma_wait3A_27 = tpu.memref_slice %arg4[%add3A, %dma_wait3A, %dma_wait3A_26] : memref<32x157x128xi32, #tpu.memory_space<hbm>> -> memref<1x157x128xi32, #tpu.memory_space<hbm>>
      %dma_wait3A_28 = tpu.memref_squeeze %dma_wait3A_27 : memref<1x157x128xi32, #tpu.memory_space<hbm>> -> memref<157x128xi32, #tpu.memory_space<hbm>>
      %dma_wait3A_29 = arith.constant 0 : i32
      %dma_wait3A_30 = arith.constant 0 : i32
      %dma_wait3A_31 = tpu.memref_slice %arg4[%add3A, %dma_wait3A_29, %dma_wait3A_30] : memref<32x157x128xi32, #tpu.memory_space<hbm>> -> memref<1x157x128xi32, #tpu.memory_space<hbm>>
      %dma_wait3A_32 = tpu.memref_squeeze %dma_wait3A_31 : memref<1x157x128xi32, #tpu.memory_space<hbm>> -> memref<157x128xi32, #tpu.memory_space<hbm>>
      tpu.wait_dma2 semaphore(%run_scoped3A : memref<!tpu.dma_semaphore, #tpu.memory_space<semaphore_mem>>) src(%dma_wait3A_32 : memref<157x128xi32, #tpu.memory_space<hbm>>) dst(%arg8 : memref<157x128xi32, #tpu.memory_space<vmem>>)
      tpu.yield
    }) : () -> ()
    %mul3A_1 = arith.constant 625 : i32
    %mul3A_2 = arith.muli %arg1, %mul3A_1 : i32
    %mul3A_3 = arith.constant 625 : i32
    %mul3A_4 = arith.muli %arg1, %mul3A_3 : i32
    "tpu.region"() ({
      %run_scoped3A = tpu.sem_alloc : memref<!tpu.dma_semaphore, #tpu.memory_space<semaphore_mem>>
      %dma_start3A = arith.constant 0 : i32
      %dma_start3A_19 = tpu.memref_slice %arg11[%mul3A_4, %dma_start3A] : memref<10000x64xf32, #tpu.memory_space<vmem_shared>> -> memref<625x64xf32, #tpu.memory_space<vmem_shared>>
      %dma_start3A_20 = arith.constant 0 : i32
      %dma_start3A_21 = tpu.memref_slice %arg2[%mul3A_2, %dma_start3A_20] : memref<10000x64xf32, #tpu.memory_space<hbm>> -> memref<625x64xf32, #tpu.memory_space<hbm>>
      tpu.enqueue_dma source(%dma_start3A_21 : memref<625x64xf32, #tpu.memory_space<hbm>>) target(%dma_start3A_19 : memref<625x64xf32, #tpu.memory_space<vmem_shared>>) target_semaphore(%run_scoped3A : memref<!tpu.dma_semaphore, #tpu.memory_space<semaphore_mem>>)
      %dma_wait3A = arith.constant 0 : i32
      %dma_wait3A_22 = tpu.memref_slice %arg11[%mul3A_4, %dma_wait3A] : memref<10000x64xf32, #tpu.memory_space<vmem_shared>> -> memref<625x64xf32, #tpu.memory_space<vmem_shared>>
      %dma_wait3A_23 = arith.constant 0 : i32
      %dma_wait3A_24 = tpu.memref_slice %arg2[%mul3A_2, %dma_wait3A_23] : memref<10000x64xf32, #tpu.memory_space<hbm>> -> memref<625x64xf32, #tpu.memory_space<hbm>>
      tpu.wait_dma2 semaphore(%run_scoped3A : memref<!tpu.dma_semaphore, #tpu.memory_space<semaphore_mem>>) src(%dma_wait3A_24 : memref<625x64xf32, #tpu.memory_space<hbm>>) dst(%dma_wait3A_22 : memref<625x64xf32, #tpu.memory_space<vmem_shared>>)
      tpu.yield
    }) : () -> ()
    %mul3A_5 = arith.constant 640 : i32
    %mul3A_6 = arith.muli %arg1, %mul3A_5 : i32
    %mul3A_7 = arith.constant 640 : i32
    %mul3A_8 = arith.muli %arg1, %mul3A_7 : i32
    "tpu.region"() ({
      %run_scoped3A = tpu.sem_alloc : memref<!tpu.dma_semaphore, #tpu.memory_space<semaphore_mem>>
      %dma_start3A = arith.constant 0 : i32
      %dma_start3A_19 = tpu.memref_slice %arg10[%mul3A_8, %dma_start3A] : memref<10240x64xf32, #tpu.memory_space<vmem_shared>> -> memref<640x64xf32, #tpu.memory_space<vmem_shared>>
      %dma_start3A_20 = arith.constant 0 : i32
      %dma_start3A_21 = tpu.memref_slice %arg5[%mul3A_6, %dma_start3A_20] : memref<10240x64xf32, #tpu.memory_space<hbm>> -> memref<640x64xf32, #tpu.memory_space<hbm>>
      tpu.enqueue_dma source(%dma_start3A_21 : memref<640x64xf32, #tpu.memory_space<hbm>>) target(%dma_start3A_19 : memref<640x64xf32, #tpu.memory_space<vmem_shared>>) target_semaphore(%run_scoped3A : memref<!tpu.dma_semaphore, #tpu.memory_space<semaphore_mem>>)
      %dma_wait3A = arith.constant 0 : i32
      %dma_wait3A_22 = tpu.memref_slice %arg10[%mul3A_8, %dma_wait3A] : memref<10240x64xf32, #tpu.memory_space<vmem_shared>> -> memref<640x64xf32, #tpu.memory_space<vmem_shared>>
      %dma_wait3A_23 = arith.constant 0 : i32
      %dma_wait3A_24 = tpu.memref_slice %arg5[%mul3A_6, %dma_wait3A_23] : memref<10240x64xf32, #tpu.memory_space<hbm>> -> memref<640x64xf32, #tpu.memory_space<hbm>>
      tpu.wait_dma2 semaphore(%run_scoped3A : memref<!tpu.dma_semaphore, #tpu.memory_space<semaphore_mem>>) src(%dma_wait3A_24 : memref<640x64xf32, #tpu.memory_space<hbm>>) dst(%dma_wait3A_22 : memref<640x64xf32, #tpu.memory_space<vmem_shared>>)
      tpu.yield
    }) : () -> ()
    %barrier3A = arith.constant 0 : index
    tpu.barrier barrier_id(%barrier3A)
    %scan3A = arith.constant 0 : i32
    %scan3A_9 = arith.constant 0 : i32
    %scan3A_10 = arith.constant 157 : i32
    %scan3A_11 = arith.addi %scan3A_9, %scan3A_10 : i32
    %scan3A_12 = arith.constant 1 : i32
    scf.for %scan3A_19 = %scan3A_9 to %scan3A_11 step %scan3A_12  : i32 {
      %dma_start3A = arith.constant 0 : i32
      %dma_start3A_20 = tpu.memref_slice %arg7[%scan3A_19, %dma_start3A] : memref<157x128xi32, #tpu.memory_space<vmem>> -> memref<1x128xi32, #tpu.memory_space<vmem>>
      %dma_start3A_21 = tpu.memref_squeeze %dma_start3A_20 : memref<1x128xi32, #tpu.memory_space<vmem>> -> memref<128xi32, #tpu.memory_space<vmem>>
      %dma_start3A_22 = arith.constant 0 : i32
      %dma_start3A_23 = arith.constant 0 : i32
      %dma_start3A_24 = tpu.memref_slice %arg11[%dma_start3A_22, %dma_start3A_23] : memref<10000x64xf32, #tpu.memory_space<vmem_shared>> -> memref<10000x64xf32, #tpu.memory_space<vmem_shared>>
      tpu.enqueue_indirect_dma source(%dma_start3A_24 : memref<10000x64xf32, #tpu.memory_space<vmem_shared>>) target(%arg9 : memref<128x64xf32, #tpu.memory_space<vmem>>) offsets(%dma_start3A_21 : memref<128xi32, #tpu.memory_space<vmem>>) semaphore(%arg12 : memref<!tpu.dma_semaphore, #tpu.memory_space<semaphore_mem>>)
      %dma_wait3A = arith.constant 0 : i32
      %dma_wait3A_25 = tpu.memref_slice %arg7[%scan3A_19, %dma_wait3A] : memref<157x128xi32, #tpu.memory_space<vmem>> -> memref<1x128xi32, #tpu.memory_space<vmem>>
      %dma_wait3A_26 = tpu.memref_squeeze %dma_wait3A_25 : memref<1x128xi32, #tpu.memory_space<vmem>> -> memref<128xi32, #tpu.memory_space<vmem>>
      %dma_wait3A_27 = arith.constant 0 : i32
      %dma_wait3A_28 = arith.constant 0 : i32
      %dma_wait3A_29 = tpu.memref_slice %arg11[%dma_wait3A_27, %dma_wait3A_28] : memref<10000x64xf32, #tpu.memory_space<vmem_shared>> -> memref<10000x64xf32, #tpu.memory_space<vmem_shared>>
      tpu.wait_indirect_dma semaphore(%arg12 : memref<!tpu.dma_semaphore, #tpu.memory_space<semaphore_mem>>) src(%dma_wait3A_29 : memref<10000x64xf32, #tpu.memory_space<vmem_shared>>) dst(%arg9 : memref<128x64xf32, #tpu.memory_space<vmem>>)
      "tpu.region"() ({
        %run_scoped3A = tpu.sem_alloc : memref<!tpu.dma_semaphore, #tpu.memory_space<semaphore_mem>>
        %dma_start3A_30 = arith.constant 0 : i32
        %dma_start3A_31 = tpu.memref_slice %arg8[%scan3A_19, %dma_start3A_30] : memref<157x128xi32, #tpu.memory_space<vmem>> -> memref<1x128xi32, #tpu.memory_space<vmem>>
        %dma_start3A_32 = tpu.memref_squeeze %dma_start3A_31 : memref<1x128xi32, #tpu.memory_space<vmem>> -> memref<128xi32, #tpu.memory_space<vmem>>
        %dma_start3A_33 = arith.constant 0 : i32
        %dma_start3A_34 = arith.constant 0 : i32
        %dma_start3A_35 = tpu.memref_slice %arg10[%dma_start3A_33, %dma_start3A_34] : memref<10240x64xf32, #tpu.memory_space<vmem_shared>> -> memref<10240x64xf32, #tpu.memory_space<vmem_shared>>
        tpu.enqueue_indirect_dma source(%arg9 : memref<128x64xf32, #tpu.memory_space<vmem>>) target(%dma_start3A_35 : memref<10240x64xf32, #tpu.memory_space<vmem_shared>>) offsets(%dma_start3A_32 : memref<128xi32, #tpu.memory_space<vmem>>) semaphore(%run_scoped3A : memref<!tpu.dma_semaphore, #tpu.memory_space<semaphore_mem>>) {add = true}
        %dma_wait3A_36 = arith.constant 0 : i32
        %dma_wait3A_37 = tpu.memref_slice %arg8[%scan3A_19, %dma_wait3A_36] : memref<157x128xi32, #tpu.memory_space<vmem>> -> memref<1x128xi32, #tpu.memory_space<vmem>>
        %dma_wait3A_38 = tpu.memref_squeeze %dma_wait3A_37 : memref<1x128xi32, #tpu.memory_space<vmem>> -> memref<128xi32, #tpu.memory_space<vmem>>
        %dma_wait3A_39 = arith.constant 0 : i32
        %dma_wait3A_40 = arith.constant 0 : i32
        %dma_wait3A_41 = tpu.memref_slice %arg10[%dma_wait3A_39, %dma_wait3A_40] : memref<10240x64xf32, #tpu.memory_space<vmem_shared>> -> memref<10240x64xf32, #tpu.memory_space<vmem_shared>>
        tpu.wait_indirect_dma semaphore(%run_scoped3A : memref<!tpu.dma_semaphore, #tpu.memory_space<semaphore_mem>>) src(%arg9 : memref<128x64xf32, #tpu.memory_space<vmem>>) dst(%dma_wait3A_41 : memref<10240x64xf32, #tpu.memory_space<vmem_shared>>)
        tpu.yield
      }) : () -> ()
    }
    %scan3A_13 = arith.constant 157 : i32
    %barrier3A_14 = arith.constant 0 : index
    tpu.barrier barrier_id(%barrier3A_14)
    %mul3A_15 = arith.constant 640 : i32
    %mul3A_16 = arith.muli %arg1, %mul3A_15 : i32
    %mul3A_17 = arith.constant 640 : i32
    %mul3A_18 = arith.muli %arg1, %mul3A_17 : i32
    "tpu.region"() ({
      %run_scoped3A = tpu.sem_alloc : memref<!tpu.dma_semaphore, #tpu.memory_space<semaphore_mem>>
      %dma_start3A = arith.constant 0 : i32
      %dma_start3A_19 = arith.constant 0 : i32
      %dma_start3A_20 = tpu.memref_slice %arg6[%arg0, %dma_start3A, %dma_start3A_19] : memref<2x10240x64xf32, #tpu.memory_space<hbm>> -> memref<1x10240x64xf32, #tpu.memory_space<hbm>>
      %dma_start3A_21 = tpu.memref_squeeze %dma_start3A_20 : memref<1x10240x64xf32, #tpu.memory_space<hbm>> -> memref<10240x64xf32, #tpu.memory_space<hbm>>
      %dma_start3A_22 = arith.constant 0 : i32
      %dma_start3A_23 = tpu.memref_slice %dma_start3A_21[%mul3A_18, %dma_start3A_22] : memref<10240x64xf32, #tpu.memory_space<hbm>> -> memref<640x64xf32, #tpu.memory_space<hbm>>
      %dma_start3A_24 = arith.constant 0 : i32
      %dma_start3A_25 = tpu.memref_slice %arg10[%mul3A_16, %dma_start3A_24] : memref<10240x64xf32, #tpu.memory_space<vmem_shared>> -> memref<640x64xf32, #tpu.memory_space<vmem_shared>>
      tpu.enqueue_dma source(%dma_start3A_25 : memref<640x64xf32, #tpu.memory_space<vmem_shared>>) target(%dma_start3A_23 : memref<640x64xf32, #tpu.memory_space<hbm>>) target_semaphore(%run_scoped3A : memref<!tpu.dma_semaphore, #tpu.memory_space<semaphore_mem>>)
      %dma_wait3A = arith.constant 0 : i32
      %dma_wait3A_26 = arith.constant 0 : i32
      %dma_wait3A_27 = tpu.memref_slice %arg6[%arg0, %dma_wait3A, %dma_wait3A_26] : memref<2x10240x64xf32, #tpu.memory_space<hbm>> -> memref<1x10240x64xf32, #tpu.memory_space<hbm>>
      %dma_wait3A_28 = tpu.memref_squeeze %dma_wait3A_27 : memref<1x10240x64xf32, #tpu.memory_space<hbm>> -> memref<10240x64xf32, #tpu.memory_space<hbm>>
      %dma_wait3A_29 = arith.constant 0 : i32
      %dma_wait3A_30 = tpu.memref_slice %dma_wait3A_28[%mul3A_18, %dma_wait3A_29] : memref<10240x64xf32, #tpu.memory_space<hbm>> -> memref<640x64xf32, #tpu.memory_space<hbm>>
      %dma_wait3A_31 = arith.constant 0 : i32
      %dma_wait3A_32 = tpu.memref_slice %arg10[%mul3A_16, %dma_wait3A_31] : memref<10240x64xf32, #tpu.memory_space<vmem_shared>> -> memref<640x64xf32, #tpu.memory_space<vmem_shared>>
      tpu.wait_dma2 semaphore(%run_scoped3A : memref<!tpu.dma_semaphore, #tpu.memory_space<semaphore_mem>>) src(%dma_wait3A_32 : memref<640x64xf32, #tpu.memory_space<vmem_shared>>) dst(%dma_wait3A_30 : memref<640x64xf32, #tpu.memory_space<hbm>>)
      tpu.yield
    }) : () -> ()
    return
  }
}

#map = affine_map<(d0, d1) -> (0, 0, 0)>
module attributes {stable_mosaic.version = 14 : i64} {
  func.func @_deg_kernel(%arg0: i32, %arg1: i32, %arg2: memref<32x157x128xi32, #tpu.memory_space<hbm>>, %arg3: memref<2x10240x16xf32, #tpu.memory_space<hbm>>, %arg4: memref<157x128xi32, #tpu.memory_space<vmem>>, %arg5: memref<128x16xf32, #tpu.memory_space<vmem>>, %arg6: memref<640x16xf32, #tpu.memory_space<vmem>>, %arg7: memref<10240x16xf32, #tpu.memory_space<vmem_shared>>) attributes {dimension_semantics = [#tpu.dimension_semantics<core_parallel>, #tpu.dimension_semantics<subcore_parallel>], iteration_bounds = array<i64: 2, 16>, scalar_prefetch = 0 : i64, scratch_operands = 4 : i64, tpu.core_type = #tpu.core_type<sc_vector_subcore>, window_params = [{transform_indices = #map}, {transform_indices = #map}]} {
    %mul3A = arith.constant 2 : i32
    %mul3A_0 = arith.muli %arg1, %mul3A : i32
    %add3A = arith.addi %mul3A_0, %arg0 : i32
    "tpu.region"() ({
      %run_scoped3A = tpu.sem_alloc : memref<!tpu.dma_semaphore, #tpu.memory_space<semaphore_mem>>
      %dma_start3A = arith.constant 0 : i32
      %dma_start3A_25 = arith.constant 0 : i32
      %dma_start3A_26 = tpu.memref_slice %arg2[%add3A, %dma_start3A, %dma_start3A_25] : memref<32x157x128xi32, #tpu.memory_space<hbm>> -> memref<1x157x128xi32, #tpu.memory_space<hbm>>
      %dma_start3A_27 = tpu.memref_squeeze %dma_start3A_26 : memref<1x157x128xi32, #tpu.memory_space<hbm>> -> memref<157x128xi32, #tpu.memory_space<hbm>>
      %dma_start3A_28 = arith.constant 0 : i32
      %dma_start3A_29 = arith.constant 0 : i32
      %dma_start3A_30 = tpu.memref_slice %arg2[%add3A, %dma_start3A_28, %dma_start3A_29] : memref<32x157x128xi32, #tpu.memory_space<hbm>> -> memref<1x157x128xi32, #tpu.memory_space<hbm>>
      %dma_start3A_31 = tpu.memref_squeeze %dma_start3A_30 : memref<1x157x128xi32, #tpu.memory_space<hbm>> -> memref<157x128xi32, #tpu.memory_space<hbm>>
      tpu.enqueue_dma source(%dma_start3A_31 : memref<157x128xi32, #tpu.memory_space<hbm>>) target(%arg4 : memref<157x128xi32, #tpu.memory_space<vmem>>) target_semaphore(%run_scoped3A : memref<!tpu.dma_semaphore, #tpu.memory_space<semaphore_mem>>)
      %dma_wait3A = arith.constant 0 : i32
      %dma_wait3A_32 = arith.constant 0 : i32
      %dma_wait3A_33 = tpu.memref_slice %arg2[%add3A, %dma_wait3A, %dma_wait3A_32] : memref<32x157x128xi32, #tpu.memory_space<hbm>> -> memref<1x157x128xi32, #tpu.memory_space<hbm>>
      %dma_wait3A_34 = tpu.memref_squeeze %dma_wait3A_33 : memref<1x157x128xi32, #tpu.memory_space<hbm>> -> memref<157x128xi32, #tpu.memory_space<hbm>>
      %dma_wait3A_35 = arith.constant 0 : i32
      %dma_wait3A_36 = arith.constant 0 : i32
      %dma_wait3A_37 = tpu.memref_slice %arg2[%add3A, %dma_wait3A_35, %dma_wait3A_36] : memref<32x157x128xi32, #tpu.memory_space<hbm>> -> memref<1x157x128xi32, #tpu.memory_space<hbm>>
      %dma_wait3A_38 = tpu.memref_squeeze %dma_wait3A_37 : memref<1x157x128xi32, #tpu.memory_space<hbm>> -> memref<157x128xi32, #tpu.memory_space<hbm>>
      tpu.wait_dma2 semaphore(%run_scoped3A : memref<!tpu.dma_semaphore, #tpu.memory_space<semaphore_mem>>) src(%dma_wait3A_38 : memref<157x128xi32, #tpu.memory_space<hbm>>) dst(%arg4 : memref<157x128xi32, #tpu.memory_space<vmem>>)
      tpu.yield
    }) : () -> ()
    %scan3A = arith.constant 0 : i32
    %scan3A_1 = arith.constant 0 : i32
    %scan3A_2 = arith.constant 128 : i32
    %scan3A_3 = arith.addi %scan3A_1, %scan3A_2 : i32
    %scan3A_4 = arith.constant 1 : i32
    scf.for %scan3A_25 = %scan3A_1 to %scan3A_3 step %scan3A_4  : i32 {
      %broadcast_in_dim3A = arith.constant 1.000000e+00 : f32
      %broadcast_in_dim3A_26 = vector.broadcast %broadcast_in_dim3A : f32 to vector<16xf32>
      %swap3A = arith.index_cast %scan3A_25 : i32 to index
      %swap3A_27 = arith.constant 0 : index
      %swap3A_28 = tpu.vector_load %arg5[%swap3A, %swap3A_27] {strides = array<i32>} : memref<128x16xf32, #tpu.memory_space<vmem>>, vector<16xf32>,
      tpu.vector_store %arg5[%swap3A, %swap3A_27], %broadcast_in_dim3A_26 {strides = array<i32>} : memref<128x16xf32, #tpu.memory_space<vmem>>, vector<16xf32>,
    }
    %scan3A_5 = arith.constant 128 : i32
    %scan3A_6 = arith.constant 0 : i32
    %scan3A_7 = arith.constant 0 : i32
    %scan3A_8 = arith.constant 640 : i32
    %scan3A_9 = arith.addi %scan3A_7, %scan3A_8 : i32
    %scan3A_10 = arith.constant 1 : i32
    scf.for %scan3A_25 = %scan3A_7 to %scan3A_9 step %scan3A_10  : i32 {
      %broadcast_in_dim3A = arith.constant 0.000000e+00 : f32
      %broadcast_in_dim3A_26 = vector.broadcast %broadcast_in_dim3A : f32 to vector<16xf32>
      %swap3A = arith.index_cast %scan3A_25 : i32 to index
      %swap3A_27 = arith.constant 0 : index
      %swap3A_28 = tpu.vector_load %arg6[%swap3A, %swap3A_27] {strides = array<i32>} : memref<640x16xf32, #tpu.memory_space<vmem>>, vector<16xf32>,
      tpu.vector_store %arg6[%swap3A, %swap3A_27], %broadcast_in_dim3A_26 {strides = array<i32>} : memref<640x16xf32, #tpu.memory_space<vmem>>, vector<16xf32>,
    }
    %scan3A_11 = arith.constant 640 : i32
    %mul3A_12 = arith.constant 640 : i32
    %mul3A_13 = arith.muli %arg1, %mul3A_12 : i32
    "tpu.region"() ({
      %run_scoped3A = tpu.sem_alloc : memref<!tpu.dma_semaphore, #tpu.memory_space<semaphore_mem>>
      %dma_start3A = arith.constant 0 : i32
      %dma_start3A_25 = tpu.memref_slice %arg7[%mul3A_13, %dma_start3A] : memref<10240x16xf32, #tpu.memory_space<vmem_shared>> -> memref<640x16xf32, #tpu.memory_space<vmem_shared>>
      %dma_start3A_26 = arith.constant 0 : i32
      %dma_start3A_27 = tpu.memref_slice %arg7[%mul3A_13, %dma_start3A_26] : memref<10240x16xf32, #tpu.memory_space<vmem_shared>> -> memref<640x16xf32, #tpu.memory_space<vmem_shared>>
      tpu.enqueue_dma source(%arg6 : memref<640x16xf32, #tpu.memory_space<vmem>>) target(%dma_start3A_27 : memref<640x16xf32, #tpu.memory_space<vmem_shared>>) target_semaphore(%run_scoped3A : memref<!tpu.dma_semaphore, #tpu.memory_space<semaphore_mem>>)
      %dma_wait3A = arith.constant 0 : i32
      %dma_wait3A_28 = tpu.memref_slice %arg7[%mul3A_13, %dma_wait3A] : memref<10240x16xf32, #tpu.memory_space<vmem_shared>> -> memref<640x16xf32, #tpu.memory_space<vmem_shared>>
      %dma_wait3A_29 = arith.constant 0 : i32
      %dma_wait3A_30 = tpu.memref_slice %arg7[%mul3A_13, %dma_wait3A_29] : memref<10240x16xf32, #tpu.memory_space<vmem_shared>> -> memref<640x16xf32, #tpu.memory_space<vmem_shared>>
      tpu.wait_dma2 semaphore(%run_scoped3A : memref<!tpu.dma_semaphore, #tpu.memory_space<semaphore_mem>>) src(%arg6 : memref<640x16xf32, #tpu.memory_space<vmem>>) dst(%dma_wait3A_30 : memref<640x16xf32, #tpu.memory_space<vmem_shared>>)
      tpu.yield
    }) : () -> ()
    %barrier3A = arith.constant 0 : index
    tpu.barrier barrier_id(%barrier3A)
    %scan3A_14 = arith.constant 0 : i32
    %scan3A_15 = arith.constant 0 : i32
    %scan3A_16 = arith.constant 157 : i32
    %scan3A_17 = arith.addi %scan3A_15, %scan3A_16 : i32
    %scan3A_18 = arith.constant 1 : i32
    scf.for %scan3A_25 = %scan3A_15 to %scan3A_17 step %scan3A_18  : i32 {
      "tpu.region"() ({
        %run_scoped3A = tpu.sem_alloc : memref<!tpu.dma_semaphore, #tpu.memory_space<semaphore_mem>>
        %dma_start3A = arith.constant 0 : i32
        %dma_start3A_26 = tpu.memref_slice %arg4[%scan3A_25, %dma_start3A] : memref<157x128xi32, #tpu.memory_space<vmem>> -> memref<1x128xi32, #tpu.memory_space<vmem>>
        %dma_start3A_27 = tpu.memref_squeeze %dma_start3A_26 : memref<1x128xi32, #tpu.memory_space<vmem>> -> memref<128xi32, #tpu.memory_space<vmem>>
        %dma_start3A_28 = arith.constant 0 : i32
        %dma_start3A_29 = arith.constant 0 : i32
        %dma_start3A_30 = tpu.memref_slice %arg7[%dma_start3A_28, %dma_start3A_29] : memref<10240x16xf32, #tpu.memory_space<vmem_shared>> -> memref<10240x16xf32, #tpu.memory_space<vmem_shared>>
        tpu.enqueue_indirect_dma source(%arg5 : memref<128x16xf32, #tpu.memory_space<vmem>>) target(%dma_start3A_30 : memref<10240x16xf32, #tpu.memory_space<vmem_shared>>) offsets(%dma_start3A_27 : memref<128xi32, #tpu.memory_space<vmem>>) semaphore(%run_scoped3A : memref<!tpu.dma_semaphore, #tpu.memory_space<semaphore_mem>>) {add = true}
        %dma_wait3A = arith.constant 0 : i32
        %dma_wait3A_31 = tpu.memref_slice %arg4[%scan3A_25, %dma_wait3A] : memref<157x128xi32, #tpu.memory_space<vmem>> -> memref<1x128xi32, #tpu.memory_space<vmem>>
        %dma_wait3A_32 = tpu.memref_squeeze %dma_wait3A_31 : memref<1x128xi32, #tpu.memory_space<vmem>> -> memref<128xi32, #tpu.memory_space<vmem>>
        %dma_wait3A_33 = arith.constant 0 : i32
        %dma_wait3A_34 = arith.constant 0 : i32
        %dma_wait3A_35 = tpu.memref_slice %arg7[%dma_wait3A_33, %dma_wait3A_34] : memref<10240x16xf32, #tpu.memory_space<vmem_shared>> -> memref<10240x16xf32, #tpu.memory_space<vmem_shared>>
        tpu.wait_indirect_dma semaphore(%run_scoped3A : memref<!tpu.dma_semaphore, #tpu.memory_space<semaphore_mem>>) src(%arg5 : memref<128x16xf32, #tpu.memory_space<vmem>>) dst(%dma_wait3A_35 : memref<10240x16xf32, #tpu.memory_space<vmem_shared>>)
        tpu.yield
      }) : () -> ()
    }
    %scan3A_19 = arith.constant 157 : i32
    %barrier3A_20 = arith.constant 0 : index
    tpu.barrier barrier_id(%barrier3A_20)
    %mul3A_21 = arith.constant 640 : i32
    %mul3A_22 = arith.muli %arg1, %mul3A_21 : i32
    %mul3A_23 = arith.constant 640 : i32
    %mul3A_24 = arith.muli %arg1, %mul3A_23 : i32
    "tpu.region"() ({
      %run_scoped3A = tpu.sem_alloc : memref<!tpu.dma_semaphore, #tpu.memory_space<semaphore_mem>>
      %dma_start3A = arith.constant 0 : i32
      %dma_start3A_25 = arith.constant 0 : i32
      %dma_start3A_26 = tpu.memref_slice %arg3[%arg0, %dma_start3A, %dma_start3A_25] : memref<2x10240x16xf32, #tpu.memory_space<hbm>> -> memref<1x10240x16xf32, #tpu.memory_space<hbm>>
      %dma_start3A_27 = tpu.memref_squeeze %dma_start3A_26 : memref<1x10240x16xf32, #tpu.memory_space<hbm>> -> memref<10240x16xf32, #tpu.memory_space<hbm>>
      %dma_start3A_28 = arith.constant 0 : i32
      %dma_start3A_29 = tpu.memref_slice %dma_start3A_27[%mul3A_24, %dma_start3A_28] : memref<10240x16xf32, #tpu.memory_space<hbm>> -> memref<640x16xf32, #tpu.memory_space<hbm>>
      %dma_start3A_30 = arith.constant 0 : i32
      %dma_start3A_31 = tpu.memref_slice %arg7[%mul3A_22, %dma_start3A_30] : memref<10240x16xf32, #tpu.memory_space<vmem_shared>> -> memref<640x16xf32, #tpu.memory_space<vmem_shared>>
      tpu.enqueue_dma source(%dma_start3A_31 : memref<640x16xf32, #tpu.memory_space<vmem_shared>>) target(%dma_start3A_29 : memref<640x16xf32, #tpu.memory_space<hbm>>) target_semaphore(%run_scoped3A : memref<!tpu.dma_semaphore, #tpu.memory_space<semaphore_mem>>)
      %dma_wait3A = arith.constant 0 : i32
      %dma_wait3A_32 = arith.constant 0 : i32
      %dma_wait3A_33 = tpu.memref_slice %arg3[%arg0, %dma_wait3A, %dma_wait3A_32] : memref<2x10240x16xf32, #tpu.memory_space<hbm>> -> memref<1x10240x16xf32, #tpu.memory_space<hbm>>
      %dma_wait3A_34 = tpu.memref_squeeze %dma_wait3A_33 : memref<1x10240x16xf32, #tpu.memory_space<hbm>> -> memref<10240x16xf32, #tpu.memory_space<hbm>>
      %dma_wait3A_35 = arith.constant 0 : i32
      %dma_wait3A_36 = tpu.memref_slice %dma_wait3A_34[%mul3A_24, %dma_wait3A_35] : memref<10240x16xf32, #tpu.memory_space<hbm>> -> memref<640x16xf32, #tpu.memory_space<hbm>>
      %dma_wait3A_37 = arith.constant 0 : i32
      %dma_wait3A_38 = tpu.memref_slice %arg7[%mul3A_22, %dma_wait3A_37] : memref<10240x16xf32, #tpu.memory_space<vmem_shared>> -> memref<640x16xf32, #tpu.memory_space<vmem_shared>>
      tpu.wait_dma2 semaphore(%run_scoped3A : memref<!tpu.dma_semaphore, #tpu.memory_space<semaphore_mem>>) src(%dma_wait3A_38 : memref<640x16xf32, #tpu.memory_space<vmem_shared>>) dst(%dma_wait3A_36 : memref<640x16xf32, #tpu.memory_space<hbm>>)
      tpu.yield
    }) : () -> ()
    return
  }
}

module attributes {stable_mosaic.version = 14 : i64} {
  func.func @_k0_body(%arg0: memref<10000x128xf32, #tpu.memory_space<vmem>>, %arg1: memref<128x64xf32, #tpu.memory_space<vmem>>, %arg2: memref<64xf32, #tpu.memory_space<vmem>>, %arg3: memref<2x10240x16xf32, #tpu.memory_space<vmem>>, %arg4: memref<64x64xf32, #tpu.memory_space<vmem>>, %arg5: memref<10000x64xf32, #tpu.memory_space<vmem>>, %arg6: memref<10000x64xf32, #tpu.memory_space<vmem>>) attributes {dimension_semantics = [], scalar_prefetch = 0 : i64, scratch_operands = 0 : i64, tpu.core_type = #tpu.core_type<tc>} {
    %get3A = arith.constant 0 : index
    %get3A_0 = arith.constant 0 : index
    %get3A_1 = arith.constant 0 : index
    %get3A_2 = vector.load %arg3[%get3A, %get3A_0, %get3A_1] : memref<2x10240x16xf32, #tpu.memory_space<vmem>>, vector<1x10000x1xf32>
    %get3A_3 = vector.shape_cast %get3A_2 : vector<1x10000x1xf32> to vector<10000x1xf32>
    %get3A_4 = arith.constant 1 : index
    %get3A_5 = arith.constant 0 : index
    %get3A_6 = arith.constant 0 : index
    %get3A_7 = vector.load %arg3[%get3A_4, %get3A_5, %get3A_6] : memref<2x10240x16xf32, #tpu.memory_space<vmem>>, vector<1x10000x1xf32>
    %get3A_8 = vector.shape_cast %get3A_7 : vector<1x10000x1xf32> to vector<10000x1xf32>
    %add3A = arith.addf %get3A_3, %get3A_8 : vector<10000x1xf32>
    %add3A_9 = arith.constant 1.000000e+00 : f32
    %add3A_10 = vector.broadcast %add3A_9 : f32 to vector<10000x1xf32>
    %add3A_11 = arith.addf %add3A, %add3A_10 : vector<10000x1xf32>
    %rsqrt3A = math.rsqrt %add3A_11 : vector<10000x1xf32>
    %broadcast_in_dim3A = vector.shape_cast %rsqrt3A : vector<10000x1xf32> to vector<10000x1xf32>
    %broadcast_in_dim3A_12 = vector.broadcast %broadcast_in_dim3A : vector<10000x1xf32> to vector<10000x64xf32>
    %get3A_13 = arith.constant 0 : index
    %get3A_14 = arith.constant 0 : index
    %get3A_15 = vector.load %arg0[%get3A_13, %get3A_14] : memref<10000x128xf32, #tpu.memory_space<vmem>>, vector<10000x128xf32>
    %get3A_16 = arith.constant 0 : index
    %get3A_17 = arith.constant 0 : index
    %get3A_18 = vector.load %arg1[%get3A_16, %get3A_17] : memref<128x64xf32, #tpu.memory_space<vmem>>, vector<128x64xf32>
    %dot_general3A = arith.constant dense<0.000000e+00> : vector<10000x64xf32>
    %dot_general3A_19 = tpu.matmul %get3A_15, %get3A_18, %dot_general3A {dimension_numbers = #tpu.dot_dimension_numbers<[1], [0], [0], [1], [0, 0, 1, 1], [], []>, precision = #tpu.contract_precision<fp32>, transpose_lhs_hint = false} : vector<10000x128xf32>, vector<128x64xf32>, vector<10000x64xf32> -> vector<10000x64xf32>
    %get3A_20 = arith.constant 0 : index
    %get3A_21 = vector.load %arg2[%get3A_20] : memref<64xf32, #tpu.memory_space<vmem>>, vector<64xf32>
    %broadcast_in_dim3A_22 = vector.shape_cast %get3A_21 : vector<64xf32> to vector<1x64xf32>
    %add3A_23 = vector.broadcast %broadcast_in_dim3A_22 : vector<1x64xf32> to vector<10000x64xf32>
    %add3A_24 = arith.addf %dot_general3A_19, %add3A_23 : vector<10000x64xf32>
    %max3A = arith.constant 0.000000e+00 : f32
    %max3A_25 = vector.broadcast %max3A : f32 to vector<10000x64xf32>
    %max3A_26 = arith.maximumf %add3A_24, %max3A_25 : vector<10000x64xf32>
    %swap3A = arith.constant 0 : index
    %swap3A_27 = arith.constant 0 : index
    %swap3A_28 = vector.load %arg5[%swap3A, %swap3A_27] : memref<10000x64xf32, #tpu.memory_space<vmem>>, vector<10000x64xf32>
    tpu.vector_store %arg5[%swap3A, %swap3A_27], %broadcast_in_dim3A_12 {strides = array<i32>} : memref<10000x64xf32, #tpu.memory_space<vmem>>, vector<10000x64xf32>,
    %get3A_29 = arith.constant 0 : index
    %get3A_30 = arith.constant 0 : index
    %get3A_31 = vector.load %arg4[%get3A_29, %get3A_30] : memref<64x64xf32, #tpu.memory_space<vmem>>, vector<64x64xf32>
    %dot_general3A_32 = arith.constant dense<0.000000e+00> : vector<10000x64xf32>
    %dot_general3A_33 = tpu.matmul %max3A_26, %get3A_31, %dot_general3A_32 {dimension_numbers = #tpu.dot_dimension_numbers<[1], [0], [0], [1], [0, 0, 1, 1], [], []>, precision = #tpu.contract_precision<fp32>, transpose_lhs_hint = false} : vector<10000x64xf32>, vector<64x64xf32>, vector<10000x64xf32> -> vector<10000x64xf32>
    %mul3A = arith.mulf %dot_general3A_33, %broadcast_in_dim3A_12 : vector<10000x64xf32>
    %swap3A_34 = arith.constant 0 : index
    %swap3A_35 = arith.constant 0 : index
    %swap3A_36 = vector.load %arg6[%swap3A_34, %swap3A_35] : memref<10000x64xf32, #tpu.memory_space<vmem>>, vector<10000x64xf32>
    tpu.vector_store %arg6[%swap3A_34, %swap3A_35], %mul3A {strides = array<i32>} : memref<10000x64xf32, #tpu.memory_space<vmem>>, vector<10000x64xf32>,
    return
  }
}

module attributes {stable_mosaic.version = 14 : i64} {
  func.func @_kmid_body(%arg0: memref<2x10240x64xf32, #tpu.memory_space<vmem>>, %arg1: memref<10000x64xf32, #tpu.memory_space<vmem>>, %arg2: memref<10000x64xf32, #tpu.memory_space<vmem>>, %arg3: memref<64xf32, #tpu.memory_space<vmem>>, %arg4: memref<64x64xf32, #tpu.memory_space<vmem>>, %arg5: memref<10000x64xf32, #tpu.memory_space<vmem>>) attributes {dimension_semantics = [], scalar_prefetch = 0 : i64, scratch_operands = 0 : i64, tpu.core_type = #tpu.core_type<tc>} {
    %get3A = arith.constant 0 : index
    %get3A_0 = arith.constant 0 : index
    %get3A_1 = vector.load %arg2[%get3A, %get3A_0] : memref<10000x64xf32, #tpu.memory_space<vmem>>, vector<10000x64xf32>
    %get3A_2 = arith.constant 0 : index
    %get3A_3 = arith.constant 0 : index
    %get3A_4 = arith.constant 0 : index
    %get3A_5 = vector.load %arg0[%get3A_2, %get3A_3, %get3A_4] : memref<2x10240x64xf32, #tpu.memory_space<vmem>>, vector<1x10000x64xf32>
    %get3A_6 = vector.shape_cast %get3A_5 : vector<1x10000x64xf32> to vector<10000x64xf32>
    %get3A_7 = arith.constant 1 : index
    %get3A_8 = arith.constant 0 : index
    %get3A_9 = arith.constant 0 : index
    %get3A_10 = vector.load %arg0[%get3A_7, %get3A_8, %get3A_9] : memref<2x10240x64xf32, #tpu.memory_space<vmem>>, vector<1x10000x64xf32>
    %get3A_11 = vector.shape_cast %get3A_10 : vector<1x10000x64xf32> to vector<10000x64xf32>
    %add3A = arith.addf %get3A_6, %get3A_11 : vector<10000x64xf32>
    %get3A_12 = arith.constant 0 : index
    %get3A_13 = arith.constant 0 : index
    %get3A_14 = vector.load %arg1[%get3A_12, %get3A_13] : memref<10000x64xf32, #tpu.memory_space<vmem>>, vector<10000x64xf32>
    %add3A_15 = arith.addf %add3A, %get3A_14 : vector<10000x64xf32>
    %mul3A = arith.mulf %get3A_1, %add3A_15 : vector<10000x64xf32>
    %get3A_16 = arith.constant 0 : index
    %get3A_17 = vector.load %arg3[%get3A_16] : memref<64xf32, #tpu.memory_space<vmem>>, vector<64xf32>
    %broadcast_in_dim3A = vector.shape_cast %get3A_17 : vector<64xf32> to vector<1x64xf32>
    %add3A_18 = vector.broadcast %broadcast_in_dim3A : vector<1x64xf32> to vector<10000x64xf32>
    %add3A_19 = arith.addf %mul3A, %add3A_18 : vector<10000x64xf32>
    %max3A = arith.constant 0.000000e+00 : f32
    %max3A_20 = vector.broadcast %max3A : f32 to vector<10000x64xf32>
    %max3A_21 = arith.maximumf %add3A_19, %max3A_20 : vector<10000x64xf32>
    %get3A_22 = arith.constant 0 : index
    %get3A_23 = arith.constant 0 : index
    %get3A_24 = vector.load %arg4[%get3A_22, %get3A_23] : memref<64x64xf32, #tpu.memory_space<vmem>>, vector<64x64xf32>
    %dot_general3A = arith.constant dense<0.000000e+00> : vector<10000x64xf32>
    %dot_general3A_25 = tpu.matmul %max3A_21, %get3A_24, %dot_general3A {dimension_numbers = #tpu.dot_dimension_numbers<[1], [0], [0], [1], [0, 0, 1, 1], [], []>, precision = #tpu.contract_precision<fp32>, transpose_lhs_hint = false} : vector<10000x64xf32>, vector<64x64xf32>, vector<10000x64xf32> -> vector<10000x64xf32>
    %mul3A_26 = arith.mulf %dot_general3A_25, %get3A_1 : vector<10000x64xf32>
    %swap3A = arith.constant 0 : index
    %swap3A_27 = arith.constant 0 : index
    %swap3A_28 = vector.load %arg5[%swap3A, %swap3A_27] : memref<10000x64xf32, #tpu.memory_space<vmem>>, vector<10000x64xf32>
    tpu.vector_store %arg5[%swap3A, %swap3A_27], %mul3A_26 {strides = array<i32>} : memref<10000x64xf32, #tpu.memory_space<vmem>>, vector<10000x64xf32>,
    return
  }
}

module attributes {stable_mosaic.version = 14 : i64} {
  func.func @_klast_body(%arg0: memref<2x10240x64xf32, #tpu.memory_space<vmem>>, %arg1: memref<10000x64xf32, #tpu.memory_space<vmem>>, %arg2: memref<10000x64xf32, #tpu.memory_space<vmem>>, %arg3: memref<64xf32, #tpu.memory_space<vmem>>, %arg4: memref<64x64xf32, #tpu.memory_space<vmem>>, %arg5: memref<64xf32, #tpu.memory_space<vmem>>, %arg6: memref<10000x64xf32, #tpu.memory_space<vmem>>) attributes {dimension_semantics = [], scalar_prefetch = 0 : i64, scratch_operands = 0 : i64, tpu.core_type = #tpu.core_type<tc>} {
    %get3A = arith.constant 0 : index
    %get3A_0 = arith.constant 0 : index
    %get3A_1 = vector.load %arg2[%get3A, %get3A_0] : memref<10000x64xf32, #tpu.memory_space<vmem>>, vector<10000x64xf32>
    %get3A_2 = arith.constant 0 : index
    %get3A_3 = arith.constant 0 : index
    %get3A_4 = arith.constant 0 : index
    %get3A_5 = vector.load %arg0[%get3A_2, %get3A_3, %get3A_4] : memref<2x10240x64xf32, #tpu.memory_space<vmem>>, vector<1x10000x64xf32>
    %get3A_6 = vector.shape_cast %get3A_5 : vector<1x10000x64xf32> to vector<10000x64xf32>
    %get3A_7 = arith.constant 1 : index
    %get3A_8 = arith.constant 0 : index
    %get3A_9 = arith.constant 0 : index
    %get3A_10 = vector.load %arg0[%get3A_7, %get3A_8, %get3A_9] : memref<2x10240x64xf32, #tpu.memory_space<vmem>>, vector<1x10000x64xf32>
    %get3A_11 = vector.shape_cast %get3A_10 : vector<1x10000x64xf32> to vector<10000x64xf32>
    %add3A = arith.addf %get3A_6, %get3A_11 : vector<10000x64xf32>
    %get3A_12 = arith.constant 0 : index
    %get3A_13 = arith.constant 0 : index
    %get3A_14 = vector.load %arg1[%get3A_12, %get3A_13] : memref<10000x64xf32, #tpu.memory_space<vmem>>, vector<10000x64xf32>
    %add3A_15 = arith.addf %add3A, %get3A_14 : vector<10000x64xf32>
    %mul3A = arith.mulf %get3A_1, %add3A_15 : vector<10000x64xf32>
    %get3A_16 = arith.constant 0 : index
    %get3A_17 = vector.load %arg3[%get3A_16] : memref<64xf32, #tpu.memory_space<vmem>>, vector<64xf32>
    %broadcast_in_dim3A = vector.shape_cast %get3A_17 : vector<64xf32> to vector<1x64xf32>
    %add3A_18 = vector.broadcast %broadcast_in_dim3A : vector<1x64xf32> to vector<10000x64xf32>
    %add3A_19 = arith.addf %mul3A, %add3A_18 : vector<10000x64xf32>
    %max3A = arith.constant 0.000000e+00 : f32
    %max3A_20 = vector.broadcast %max3A : f32 to vector<10000x64xf32>
    %max3A_21 = arith.maximumf %add3A_19, %max3A_20 : vector<10000x64xf32>
    %get3A_22 = arith.constant 0 : index
    %get3A_23 = arith.constant 0 : index
    %get3A_24 = vector.load %arg4[%get3A_22, %get3A_23] : memref<64x64xf32, #tpu.memory_space<vmem>>, vector<64x64xf32>
    %dot_general3A = arith.constant dense<0.000000e+00> : vector<10000x64xf32>
    %dot_general3A_25 = tpu.matmul %max3A_21, %get3A_24, %dot_general3A {dimension_numbers = #tpu.dot_dimension_numbers<[1], [0], [0], [1], [0, 0, 1, 1], [], []>, precision = #tpu.contract_precision<fp32>, transpose_lhs_hint = false} : vector<10000x64xf32>, vector<64x64xf32>, vector<10000x64xf32> -> vector<10000x64xf32>
    %get3A_26 = arith.constant 0 : index
    %get3A_27 = vector.load %arg5[%get3A_26] : memref<64xf32, #tpu.memory_space<vmem>>, vector<64xf32>
    %broadcast_in_dim3A_28 = vector.shape_cast %get3A_27 : vector<64xf32> to vector<1x64xf32>
    %add3A_29 = vector.broadcast %broadcast_in_dim3A_28 : vector<1x64xf32> to vector<10000x64xf32>
    %add3A_30 = arith.addf %dot_general3A_25, %add3A_29 : vector<10000x64xf32>
    %swap3A = arith.constant 0 : index
    %swap3A_31 = arith.constant 0 : index
    %swap3A_32 = vector.load %arg6[%swap3A, %swap3A_31] : memref<10000x64xf32, #tpu.memory_space<vmem>>, vector<10000x64xf32>
    tpu.vector_store %arg6[%swap3A, %swap3A_31], %add3A_30 {strides = array<i32>} : memref<10000x64xf32, #tpu.memory_space<vmem>>, vector<10000x64xf32>,
    return
  }
}

</mosaic_0001>

<sc_bundles>
// kernel: kernel.10.cloned.1.call-start
scs
__scs_entry_jumppad:
0x0: {  	(pc) =	sbr.rel $0x88, $3  }
0x1: {  	(tag) =	ssettag $0x0;
	lr =	simm.s32 $0x1  }
0x2: {  	[smem:$0x3F99] =	sst lr;
	_ =	strace $0xD0000000  }
0x3: {  	_ = 	snop  }
0x4: {  	_ = 	snop  }
0x5: {  	_ = 	snop  }
0x6: {  	_ = 	snop  }
0x7: {  	_ = 	snop  }
__scs_overlays_trampoline_lowered:
0x8: {  	[smem:$0x3FA8] =	sst s0  }
0x9: {  	[smem:$0x3FA9] =	sst s1  }
0xa: {  	[smem:$0x3FAA] =	sst s2  }
0xb: {  	[smem:$0x3FAB] =	sst s3  }
0xc: {  	[smem:$0x3FAC] =	sst s4  }
0xd: {  	[smem:$0x3FAD] =	sst s5  }
0xe: {  	[smem:$0x3FAE] =	sst s6  }
0xf: {  	[smem:$0x3FAF] =	sst s7  }
0x10: {  	[smem:$0x3FB0] =	sst s8  }
0x11: {  	[smem:$0x3FB1] =	sst s9;
	s0 =	simm.s32 @!p0 $0x0  }
0x12: {  	s1 =	sld [smem:$0x3F97];
	s0 =	simm.s32 @p0 $0x1  }
0x13: {  	[smem:$0x3FB2] =	sst s0;
	s0 =	simm.s32 @!p1 $0x0  }
0x14: {  	s2 =	sld [smem:$0x3F96];
	s0 =	simm.s32 @p1 $0x1  }
0x15: {  	[smem:$0x3FB3] =	sst s0;
	s0 =	simm.s32 @!p2 $0x0  }
0x16: {  	s3 =	sld [smem:$0x3FDB];
	s0 =	simm.s32 @p2 $0x1  }
0x17: {  	s4 =	simm.s32 $0x1BF5;
	[smem:$0x3FB5] =	sst s0  }
0x18: {  	s0 =	sld [smem:$0x3F98];
	_ =	swait.ge [sflag:s4], $0x0  }
0x19: {  	s7 =	sld [smem:$0x3F99]  }
0x1a: {  	s8 =	sadd.s32 $0xFFFFE003, lr  }
0x1b: {  	s9 =	sadd.s32 $0xFFFFFEF7, lr;
	s5 =	simm.s32 $0xFFFFFFFF;
	p2 =	slt.u32 s8, $0xFFFFF086  }
0x1c: {  	p1 =	slt.u32 s9, $0xF7A;
	s5 =	simm.s32 @!p2 $0x0  }
0x1d: {  	s5 =	simm.s32 @p1 $0x1;
	p0 =	seq.s32 s7, s2  }
0x1e: {  	s7 =	smul.u32 @!p0 $0xF7A, s2;
	p2 =	seq.s32 @!p0 s5, $0x0  }
0x1f: {  	s9 =	smul.u32 $0xF7A, s1;
	s8 =	simm.s32 @!p0 $0x1BF5;
	p2 =	por !p2, p0  }
0x20: {  	[sflag:s8] =	ssyncset.s32 @!p0 $0xFFFFF086;
	s6 =	sadd.s32 @!p0 s3, s7;
	s7 =	simm.s32 @!p0 $0x108  }
0x21: {  	s3 =	sadd.s32 s3, s9;
	s6 =	sadd.s32 @!p0 $0x88, s6;
	s7 =	simm.s32 @p2 $0x1082  }
0x22: {  	[simem:s7], [sflag:s8] =	dma.local @!p0 [hbm:s6], $0xF7A  }
0x23: {  	s9 =	sor.u32 $0xD0000000, s2;
	s6 =	simm.s32 $0x108;
	_ =	swait.ge @!p0 [sflag:s8], $0x0  }
0x24: {  	s3 =	sadd.s32 $0x88, s3;
	s6 =	simm.s32 @!p1 $0x1082;
	[sflag:s4] =	ssyncset.s32 $0xFFFFF086  }
0x25: {  	[simem:s6], [sflag:s4] =	dma.local [hbm:s3], $0xF7A  }
0x26: {  	[smem:$0x3F99] =	sst s1;
	(tag) =	ssettag s2;
	_ =	strace s9  }
0x27: {  	s1 =	sld [smem:$0x3FA9]  }
0x28: {  	s2 =	sld [smem:$0x3FAA]  }
0x29: {  	s4 =	sld [smem:$0x3FAC]  }
0x2a: {  	p0 =	seq.s32 s5, $0x0;
	s5 =	sld [smem:$0x3FAD]  }
0x2b: {  	s6 =	sld [smem:$0x3FAE]  }
0x2c: {  	s7 =	sld [smem:$0x3FAF]  }
0x2d: {  	s3 =	simm.s32 $0x108;
	s8 =	sld [smem:$0x3FB0]  }
0x2e: {  	s3 =	simm.s32 @!p0 $0x1082;
	s9 =	sld [smem:$0x3FB1]  }
0x2f: {  	lr =	sadd.s32 s0, s3;
	s0 =	sld [smem:$0x3FA8]  }
0x30: {  	s3 =	sld [smem:$0x3FAB]  }
0x31: {  	[smem:$0x3FB4] =	sst s10  }
0x32: {  	s10 =	sld [smem:$0x3FB2];
	_ =	sdelay $0x3  }
0x33: {  	p0 =	seq.s32 s10, $0x1;
	s10 =	sld [smem:$0x3FB4];
	_ =	sdelay $0x3  }
0x34: {  	[smem:$0x3FB4] =	sst s10  }
0x35: {  	s10 =	sld [smem:$0x3FB3];
	_ =	sdelay $0x3  }
0x36: {  	p1 =	seq.s32 s10, $0x1;
	s10 =	sld [smem:$0x3FB4];
	_ =	sdelay $0x3  }
0x37: {  	[smem:$0x3FB4] =	sst s10  }
0x38: {  	s10 =	sld [smem:$0x3FB5]  }
0x39: {  	_ = 	snop;
	(pc) =	sbr.ind lr, $3  }
0x3a: {  	_ = 	snop  }
0x3b: {  	_ = 	snop  }
0x3c: {  	p2 =	seq.s32 s10, $0x1;
	s10 =	sld [smem:$0x3FB4]  }
0x3d: {  	_ =	shalt  }
0x3e: {  	_ =	shalt  }
0x3f: {  	_ =	shalt  }
0x40: {  	_ =	shalt  }
0x41: {  	_ =	shalt  }
0x42: {  	_ =	shalt  }
0x43: {  	_ =	shalt  }
0x44: {  	_ =	shalt  }
0x45: {  	_ =	shalt  }
0x46: {  	_ =	shalt  }
0x47: {  	_ =	shalt  }
0x48: {  	_ =	shalt  }
0x49: {  	_ =	shalt  }
0x4a: {  	_ =	shalt  }
0x4b: {  	_ =	shalt  }
0x4c: {  	_ =	shalt  }
0x4d: {  	_ =	shalt  }
0x4e: {  	_ =	shalt  }
0x4f: {  	_ =	shalt  }
0x50: {  	_ =	shalt  }
0x51: {  	_ =	shalt  }
0x52: {  	_ =	shalt  }
0x53: {  	_ =	shalt  }
0x54: {  	_ =	shalt  }
0x55: {  	_ =	shalt  }
0x56: {  	_ =	shalt  }
0x57: {  	_ =	shalt  }
0x58: {  	_ =	shalt  }
0x59: {  	_ =	shalt  }
0x5a: {  	_ =	shalt  }
0x5b: {  	_ =	shalt  }
0x5c: {  	_ =	shalt  }
0x5d: {  	_ =	shalt  }
0x5e: {  	_ =	shalt  }
0x5f: {  	_ =	shalt  }
0x60: {  	_ =	shalt  }
0x61: {  	_ =	shalt  }
0x62: {  	_ =	shalt  }
0x63: {  	_ =	shalt  }
0x64: {  	_ =	shalt  }
0x65: {  	_ =	shalt  }
0x66: {  	_ =	shalt  }
0x67: {  	_ =	shalt  }
0x68: {  	_ =	shalt  }
0x69: {  	_ =	shalt  }
0x6a: {  	_ =	shalt  }
0x6b: {  	_ =	shalt  }
0x6c: {  	_ =	shalt  }
0x6d: {  	_ =	shalt  }
0x6e: {  	_ =	shalt  }
0x6f: {  	_ =	shalt  }
0x70: {  	_ =	shalt  }
0x71: {  	_ =	shalt  }
0x72: {  	_ =	shalt  }
0x73: {  	_ =	shalt  }
0x74: {  	_ =	shalt  }
0x75: {  	_ =	shalt  }
0x76: {  	_ =	shalt  }
0x77: {  	_ =	shalt  }
0x78: {  	_ =	shalt  }
0x79: {  	_ =	shalt  }
0x7a: {  	_ =	shalt  }
0x7b: {  	_ =	shalt  }
0x7c: {  	_ =	shalt  }
0x7d: {  	_ =	shalt  }
0x7e: {  	_ =	shalt  }
0x7f: {  	_ =	shalt  }
0x80: {  	_ =	shalt  }
0x81: {  	_ =	shalt  }
0x82: {  	_ =	shalt  }
0x83: {  	_ =	shalt  }
0x84: {  	_ =	shalt  }
0x85: {  	_ =	shalt  }
0x86: {  	_ =	shalt  }
0x87: {  	_ =	shalt  }
.Lfunc_end0:
.L_simem_size_0:
called_computation_lowered:
.L_overlay_start_0:
0x88: {  	s2 =	sld [smem:$0x3FD9]  }
0x89: {  	s3 =	sld [smem:$0x3FFE];
	_ =	sdelay $0x1  }
0x8a: {  	s1 =	srdreg.scid  }
0x8b: {  	s0 =	sand.u32 $0x1, s1  }
0x8c: {  	s17 =	sshll.u32 s0, $0xA;
	s2 =	sadd.s32 s3, s2  }
0x8d: {  	s2 =	sadd.s32 s2, s17  }
0x8e: {  	[smem:$0x3FC0] =	sst s2  }
0x8f: {  	_ = 	snop  }
0x90: {  	s2 =	sld [smem:$0x3FD0];
	(tm) =	ssettm $0x1  }
0x91: {  	s18 =	sld [smem:$0x3FFB];
	_ =	sdelay $0x3  }
0x92: {  	_ =	strace s18  }
0x93: {  	s3 =	sld [smem:$0x3FFC];
	_ =	sdelay $0x3  }
0x94: {  	_ =	strace s3  }
0x95: {  	s3 =	sld [smem:$0x3FFD];
	_ =	sdelay $0x3  }
0x96: {  	_ =	strace s3  }
0x97: {  	_ =	strace $0x8FFFFFFF  }
0x98: {  	s19 =	sld [smem:$0x3FDB];
	_ =	sdelay $0x1  }
0x99: {  	s4 =	simm.s32 $_scs_section_size  }
0x9a: {  	s5 =	simm.s32 $_size__tile_overlayer_lowered;
	s6 =	simm.s32 $_tile_overlayer_lowered  }
0x9b: {  	s22 =	simm.s32 $0x1BFF;
	s21 =	sshll.u32 s6, $0x1;
	s3 =	sadd.s32 s4, s19  }
0x9c: {  	s7 =	simm.s32 $0x0;
	s20 =	sshll.u32 s5, $0x1;
	s5 =	sadd.s32 s21, s3  }
0x9d: {  	[timem:s7], [sflag:s22] =	dma.local [hbm:s5], s20  }
0x9e: {  	_ =	swait.ge [sflag:s22], s20  }
0x9f: {  	s4 =	ssub.s32 $0x0, s20;
	[sflag:s22] =	ssyncset.done $0x0  }
0xa0: {  	[sflag:s22] =	ssyncadd.s32 s4;
	_ =	sdelay $0x1  }
0xa1: {  	s23 =	simm.s32 $0x1B8B  }
0xa2: {  	_ =	swait.ge [sflag:s23], $0x1  }
0xa3: {  	[sflag:s23] =	ssyncset.done $0x0  }
0xa4: {  	s25 =	simm.s32 $0x1B8E;
	s24 =	sld [smem:$0x3FFE];
	[sflag:s23] =	ssyncadd.s32 $0xFFFFFFFF  }
0xa5: {  	s26 =	simm.s32 $execute0_lowered;
	[smem:$0x3FD2] =	sst s25  }
0xa6: {  	s5 =	sshll.u32 s26, $0x1;
	_ =	strace $0x80000046;
	[dreg:$0x1] =	wrdreg $0xFFFFFFFF  }
0xa7: {  	s28 =	simm.s32 $_size_execute0_lowered;
	s3 =	sadd.s32 s3, s5;
	[dreg:$0x0] =	wrdreg $0x0  }
0xa8: {  	s5 =	sshll.u32 s28, $0x1;
	[dreg:$0x2] =	wrdreg s3  }
0xa9: {  	[dreg:$0x3] =	wrdreg s5  }
0xaa: {  	[dreg:$0x4] =	wrdreg $0xC0  }
0xab: {  	_ =	task [dreg:s7], $0x5FFFF  }
0xac: {  	[dreg:$0x1] =	wrdreg $0xFFFFFFFF  }
0xad: {  	[dreg:$0x0] =	wrdreg $0x60  }
0xae: {  	[dreg:$0x2] =	wrdreg s2  }
0xaf: {  	[dreg:$0x3] =	wrdreg s24  }
0xb0: {  	[dreg:$0x4] =	wrdreg $0x7E800  }
0xb1: {  	[dreg:$0x5] =	wrdreg $0x9  }
0xb2: {  	_ =	task.clear_ibuf [dreg:s7], $0x6FFFF;
	_ =	strace $0x90000046  }
0xb3: {  	s29 =	simm.s32 $0x9;
	_ =	strace $0x80000048  }
0xb4: {  	_ =	swait.ge [sflag:s29], $0x1  }
0xb5: {  	[sflag:s29] =	ssyncadd.s32 $0xFFFFFFFF  }
0xb6: {  	_ =	strace $0x90000048  }
0xb7: {  	_ =	sfence  }
0xb8: {  	s30 =	sld [smem:$0x0];
	_ =	sdelay $0x2  }
0xb9: {  	s31 =	sshll.u32 s1, $0xD;
	s1 =	sshrl.u32 s1, $0x2  }
0xba: {  	s3 =	sand.u32 $0x4000, s31;
	s1 =	sadd.s32 s1, s30  }
0xbb: {  	s0 =	sor.u32 s3, s0;
	s1 =	sshll.u32 s1, $0x11  }
0xbc: {  	s0 =	sor.u32 s1, s0  }
0xbd: {  	s0 =	sadd.s32 $0x8F2B, s0  }
0xbe: {  	[sflag:s0] =	ssyncadd.remote.s32 $0x1  }
0xbf: {  	_ =	sfence.sel $0xFFFF  }
0xc0: {  	[dreg:$0x0] =	wrdreg $0xFFFFFFFF;
	(pc) =	sbr.abs _section_cstart, $3  }
0xc1: {  	[dreg:$0x1] =	wrdreg $0xFFFFFFFF  }
0xc2: {  	_ =	task.clear_ibuf [dreg:s7], $0x2FFFF;
	_ =	strace $0x9FFFFFFF  }
0xc3: {  	(tm) =	ssettm $0x7FFFFFFF  }
tec
execute0_lowered:
.L_overlay_start_1:
0x0: {  	(tag) =	ssettag $0x1  }
0x1: {  	s4 =	rddreg [dreg:$0x0]  }
0x2: {  	s1 =	srdreg.scid;
	s5 =	rddreg [dreg:$0x1]  }
0x3: {  	s0 =	stileid.u32;
	s2 =	rddreg [dreg:$0x2];
	s3 =	simm.s32 $0x0  }
0x4: {  	s10 =	simm.s32 $0x4E80;
	s14 =	simm.s32 $0x0;
	s6 =	sand.u32 $0x1, s1  }
0x5: {  	s29 =	sshll.u32 s0, $0x1;
	s1 =	rddreg [dreg:$0x3];
	s9 =	smul.u32 $0x2800, s0  }
0x6: {  	[smem:$0x7FF] =	sst s3;
	s31 =	sshll.u32 s0, $0x6;
	s7 =	smul.u32 $0x5000, s6  }
0x7: {  	s8 =	sor.u32 s6, s29;
	s6 =	ssub.s32 $0x2, s6;
	_ =	strace $0x80000047  }
0x8: {  	s8 =	smul.u32 $0x9D0, s8;
	s30 =	sshrl.u32 s6, $0x1;
	s12 =	sshrl.u32 s9, $0x3  }
0x9: {  	s7 =	sadd.s32 s7, s5;
	s6 =	ssub.s32 s6, s30;
	s5 =	sadd.s32 s9, s2  }
0xa: {  	s9 =	simm.s32 $0x80;
	s4 =	sadd.s32 s4, s8;
	s11 =	sadd.s32 $0x2C00, s7  }
0xb: {  	s6 =	smax.u32 s6, $0x1;
	s7 =	simm.s32 $0x1;
	s8 =	simm.s32 $0x5680  }
0xc: {  	v0 =	vimm.f32 $1.000000000e+00;
	v1 =	vimm.f32 $0.0e+00;
	s13 =	sshrl.u32 s5, $0x3;
	s11 =	sadd.s32 s12, s11;
	s12 =	sor.u32 $0x1C01, s31  }
.LBB2_1:
0xd: {  	[tilespmem:s3], [sflag:$0x1] =	stream.linear.gather [hbm4b:s4+s3], $0x4E80, $0x38;
	[tilespmem:$0xA680] =	vst v63  }
0xe: {  	_ =	swait.ge [sflag:s7], $0x4E80  }
0xf: {  	[sflag:s7] =	ssyncset.done $0x0  }
0x10: {  	s15 =	simm.s32 $0x0;
	[sflag:s7] =	ssyncadd.s32 $0xFFFFB180  }
.LBB2_2:
0x11: {  	p0 =	sne.s32 s15, $0x1FC0  }
.Ltmp0:
0x12: {  	_ = 	snop;
	(pc) =	sbr.rel @p0 .LBB2_2-.Ltmp0, $3  }
0x13: {  	_ =	sdelay $0x1  }
0x14: {  	s16 =	sshra.s32 s15, $0x2  }
0x15: {  	s15 =	sadd.s32 $0x40, s15;
	[tilespmem:s16+$0x4E80] =	vst v0  }
0x16: {  	s15 =	simm.s32 $0x40;
	s16 =	simm.s32 $0x0  }
.LBB2_4:
0x17: {  	p0 =	sne.s32 s15, $0x9FC0;
	[tilespmem:s16+$0x5680] =	vst v1;
	s16 =	smov.u32 s15;
	s15 =	sadd.s32 $0x40, s15  }
.Ltmp1:
0x18: {  	(pc) =	sbr.rel @p0 .LBB2_4-.Ltmp1, $2  }
0x19: {  	_ =	sdelay $0x2  }
0x1a: {  	s16 =	sshra.s32 s16, $0x2  }
0x1b: {  	[tilespmem:s16+$0x5680] =	vst v1  }
0x1c: {  	[spmem:s5] =	stream.linear.scatter [tilespmem:s8], [sflag:$0x1], $0x2800, $0x38;
	[tilespmem:$0xA680] =	vst v63  }
0x1d: {  	_ =	swait.ge [sflag:s7], $0x2800  }
0x1e: {  	[sflag:s7] =	ssyncset.done $0x0  }
0x1f: {  	[sflag:s7] =	ssyncadd.s32 $0xFFFFD800  }
0x20: {  	s15 =	simm.s32 $0x0;
	[bflag:$0x0] =	sbarrier.arrive $0xFFFF  }
0x21: {  	[spmem:s2] =	stream.indirect.scatter.add.f32 [tilespmem:s10], [sflag:$0x1], $0x10, s15, s9, $0xb8;
	[tilespmem:$0xA680] =	vst v63  }
0x22: {  	_ =	swait.ge [sflag:s7], $0x800  }
0x23: {  	s15 =	simm.s32 $0x200;
	[sflag:s7] =	ssyncset.done $0x0  }
.LBB2_6:
0x24: {  	s16 =	sshra.s32 s15, $0x2;
	[sflag:s7] =	ssyncadd.s32 $0xFFFFF800;
	p0 =	sne.s32 s15, $0x13800  }
0x25: {  	[spmem:s2] =	stream.indirect.scatter.add.f32 [tilespmem:s10], [sflag:$0x1], $0x10, s16, s9, $0xb8;
	[tilespmem:$0xA680] =	vst v63  }
.Ltmp2:
0x26: {  	_ = 	snop;
	(pc) =	sbr.rel @p0 .LBB2_6-.Ltmp2, $4  }
0x27: {  	_ = 	snop  }
0x28: {  	s15 =	sadd.s32 $0x200, s15  }
0x29: {  	_ =	swait.ge [sflag:s7], $0x800  }
0x2a: {  	[sflag:s7] =	ssyncset.done $0x0  }
0x2b: {  	s14 =	sadd.s32 $0x1, s14  }
0x2c: {  	[sflag:s7] =	ssyncadd.s32 $0xFFFFF800;
	p0 =	sne.s32 s14, s6  }
.Ltmp3:
0x2d: {  	[bflag:$0x0] =	sbarrier.arrive $0xFFFF;
	(pc) =	sbr.rel @p0 .LBB2_1-.Ltmp3, $4  }
0x2e: {  	[hbm:s11], [sflag:s12] =	dma.local [spmem:s13], $0x500  }
0x2f: {  	_ =	swait.ge [sflag:s7], $0x500  }
0x30: {  	[sflag:s7] =	ssyncset.done $0x0  }
0x31: {  	[sflag:s7] =	ssyncadd.s32 $0xFFFFFB00  }
0x32: {  	_ =	sfence.sel $0x180000  }
0x33: {  	[bflag:$0x0] =	sbarrier.arrive $0xFFFF  }
0x34: {  	p0 =	sne.s32 s0, $0x0;
	_ =	strace $0x90000047  }
0x35: {  	s0 =	sadd.s32 @!p0 $0x100000, s1;
	[bflag:$0x2] =	sbarrier.arrive $0xFFFF  }
0x36: {  	[sflag:s0] =	ssyncadd.tile.s32 @!p0 $0x1;
	_ =	shalt  }
.Lfunc_end2:
_tile_overlayer_lowered:
.L_overlay_start_2:
0x37: {  	(tag) =	ssettag $0x2  }
0x38: {  	s0 =	rddreg [dreg:$0x0];
	s2 =	stileid.u32  }
0x39: {  	s1 =	rddreg [dreg:$0x1];
	p0 =	sne.s32 s2, $0x0  }
0x3a: {  	s3 =	rddreg [dreg:$0x2];
	[bflag:$0x3] =	sbarrier.arrive $0xFFFF;
	s2 =	simm.s32 @!p0 $0x1C01  }
0x3b: {  	[timem:s3], [sflag:s2] =	dma.local @!p0 [hbm:s0], s1  }
0x3c: {  	s0 =	simm.s32 @!p0 $0x1  }
0x3d: {  	_ =	swait.ge @!p0 [sflag:s0], s1  }
0x3e: {  	s1 =	ssub.s32 @!p0 $0x0, s1;
	[sflag:s0] =	ssyncset.done @!p0 $0x0  }
0x3f: {  	[sflag:s0] =	ssyncadd.s32 @!p0 s1  }
0x40: {  	[bflag:$0x3] =	sbarrier.arrive $0xFFFF  }
0x41: {  	_ =	shalt  }

// kernel: kernel.13.cloned.1.call-start
scs
__scs_entry_jumppad:
0x0: {  	(pc) =	sbr.rel $0x88, $3  }
0x1: {  	(tag) =	ssettag $0x0;
	lr =	simm.s32 $0x1  }
0x2: {  	[smem:$0x3F99] =	sst lr;
	_ =	strace $0xD0000000  }
0x3: {  	_ = 	snop  }
0x4: {  	_ = 	snop  }
0x5: {  	_ = 	snop  }
0x6: {  	_ = 	snop  }
0x7: {  	_ = 	snop  }
__scs_overlays_trampoline_lowered:
0x8: {  	[smem:$0x3FA8] =	sst s0  }
0x9: {  	[smem:$0x3FA9] =	sst s1  }
0xa: {  	[smem:$0x3FAA] =	sst s2  }
0xb: {  	[smem:$0x3FAB] =	sst s3  }
0xc: {  	[smem:$0x3FAC] =	sst s4  }
0xd: {  	[smem:$0x3FAD] =	sst s5  }
0xe: {  	[smem:$0x3FAE] =	sst s6  }
0xf: {  	[smem:$0x3FAF] =	sst s7  }
0x10: {  	[smem:$0x3FB0] =	sst s8  }
0x11: {  	[smem:$0x3FB1] =	sst s9;
	s0 =	simm.s32 @!p0 $0x0  }
0x12: {  	s1 =	sld [smem:$0x3F97];
	s0 =	simm.s32 @p0 $0x1  }
0x13: {  	[smem:$0x3FB2] =	sst s0;
	s0 =	simm.s32 @!p1 $0x0  }
0x14: {  	s2 =	sld [smem:$0x3F96];
	s0 =	simm.s32 @p1 $0x1  }
0x15: {  	[smem:$0x3FB3] =	sst s0;
	s0 =	simm.s32 @!p2 $0x0  }
0x16: {  	s3 =	sld [smem:$0x3FDB];
	s0 =	simm.s32 @p2 $0x1  }
0x17: {  	s4 =	simm.s32 $0x1BF5;
	[smem:$0x3FB5] =	sst s0  }
0x18: {  	s0 =	sld [smem:$0x3F98];
	_ =	swait.ge [sflag:s4], $0x0  }
0x19: {  	s7 =	sld [smem:$0x3F99]  }
0x1a: {  	s8 =	sadd.s32 $0xFFFFE003, lr  }
0x1b: {  	s9 =	sadd.s32 $0xFFFFFEF7, lr;
	s5 =	simm.s32 $0xFFFFFFFF;
	p2 =	slt.u32 s8, $0xFFFFF086  }
0x1c: {  	p1 =	slt.u32 s9, $0xF7A;
	s5 =	simm.s32 @!p2 $0x0  }
0x1d: {  	s5 =	simm.s32 @p1 $0x1;
	p0 =	seq.s32 s7, s2  }
0x1e: {  	s7 =	smul.u32 @!p0 $0xF7A, s2;
	p2 =	seq.s32 @!p0 s5, $0x0  }
0x1f: {  	s9 =	smul.u32 $0xF7A, s1;
	s8 =	simm.s32 @!p0 $0x1BF5;
	p2 =	por !p2, p0  }
0x20: {  	[sflag:s8] =	ssyncset.s32 @!p0 $0xFFFFF086;
	s6 =	sadd.s32 @!p0 s3, s7;
	s7 =	simm.s32 @!p0 $0x108  }
0x21: {  	s3 =	sadd.s32 s3, s9;
	s6 =	sadd.s32 @!p0 $0x88, s6;
	s7 =	simm.s32 @p2 $0x1082  }
0x22: {  	[simem:s7], [sflag:s8] =	dma.local @!p0 [hbm:s6], $0xF7A  }
0x23: {  	s9 =	sor.u32 $0xD0000000, s2;
	s6 =	simm.s32 $0x108;
	_ =	swait.ge @!p0 [sflag:s8], $0x0  }
0x24: {  	s3 =	sadd.s32 $0x88, s3;
	s6 =	simm.s32 @!p1 $0x1082;
	[sflag:s4] =	ssyncset.s32 $0xFFFFF086  }
0x25: {  	[simem:s6], [sflag:s4] =	dma.local [hbm:s3], $0xF7A  }
0x26: {  	[smem:$0x3F99] =	sst s1;
	(tag) =	ssettag s2;
	_ =	strace s9  }
0x27: {  	s1 =	sld [smem:$0x3FA9]  }
0x28: {  	s2 =	sld [smem:$0x3FAA]  }
0x29: {  	s4 =	sld [smem:$0x3FAC]  }
0x2a: {  	p0 =	seq.s32 s5, $0x0;
	s5 =	sld [smem:$0x3FAD]  }
0x2b: {  	s6 =	sld [smem:$0x3FAE]  }
0x2c: {  	s7 =	sld [smem:$0x3FAF]  }
0x2d: {  	s3 =	simm.s32 $0x108;
	s8 =	sld [smem:$0x3FB0]  }
0x2e: {  	s3 =	simm.s32 @!p0 $0x1082;
	s9 =	sld [smem:$0x3FB1]  }
0x2f: {  	lr =	sadd.s32 s0, s3;
	s0 =	sld [smem:$0x3FA8]  }
0x30: {  	s3 =	sld [smem:$0x3FAB]  }
0x31: {  	[smem:$0x3FB4] =	sst s10  }
0x32: {  	s10 =	sld [smem:$0x3FB2];
	_ =	sdelay $0x3  }
0x33: {  	p0 =	seq.s32 s10, $0x1;
	s10 =	sld [smem:$0x3FB4];
	_ =	sdelay $0x3  }
0x34: {  	[smem:$0x3FB4] =	sst s10  }
0x35: {  	s10 =	sld [smem:$0x3FB3];
	_ =	sdelay $0x3  }
0x36: {  	p1 =	seq.s32 s10, $0x1;
	s10 =	sld [smem:$0x3FB4];
	_ =	sdelay $0x3  }
0x37: {  	[smem:$0x3FB4] =	sst s10  }
0x38: {  	s10 =	sld [smem:$0x3FB5]  }
0x39: {  	_ = 	snop;
	(pc) =	sbr.ind lr, $3  }
0x3a: {  	_ = 	snop  }
0x3b: {  	_ = 	snop  }
0x3c: {  	p2 =	seq.s32 s10, $0x1;
	s10 =	sld [smem:$0x3FB4]  }
0x3d: {  	_ =	shalt  }
0x3e: {  	_ =	shalt  }
0x3f: {  	_ =	shalt  }
0x40: {  	_ =	shalt  }
0x41: {  	_ =	shalt  }
0x42: {  	_ =	shalt  }
0x43: {  	_ =	shalt  }
0x44: {  	_ =	shalt  }
0x45: {  	_ =	shalt  }
0x46: {  	_ =	shalt  }
0x47: {  	_ =	shalt  }
0x48: {  	_ =	shalt  }
0x49: {  	_ =	shalt  }
0x4a: {  	_ =	shalt  }
0x4b: {  	_ =	shalt  }
0x4c: {  	_ =	shalt  }
0x4d: {  	_ =	shalt  }
0x4e: {  	_ =	shalt  }
0x4f: {  	_ =	shalt  }
0x50: {  	_ =	shalt  }
0x51: {  	_ =	shalt  }
0x52: {  	_ =	shalt  }
0x53: {  	_ =	shalt  }
0x54: {  	_ =	shalt  }
0x55: {  	_ =	shalt  }
0x56: {  	_ =	shalt  }
0x57: {  	_ =	shalt  }
0x58: {  	_ =	shalt  }
0x59: {  	_ =	shalt  }
0x5a: {  	_ =	shalt  }
0x5b: {  	_ =	shalt  }
0x5c: {  	_ =	shalt  }
0x5d: {  	_ =	shalt  }
0x5e: {  	_ =	shalt  }
0x5f: {  	_ =	shalt  }
0x60: {  	_ =	shalt  }
0x61: {  	_ =	shalt  }
0x62: {  	_ =	shalt  }
0x63: {  	_ =	shalt  }
0x64: {  	_ =	shalt  }
0x65: {  	_ =	shalt  }
0x66: {  	_ =	shalt  }
0x67: {  	_ =	shalt  }
0x68: {  	_ =	shalt  }
0x69: {  	_ =	shalt  }
0x6a: {  	_ =	shalt  }
0x6b: {  	_ =	shalt  }
0x6c: {  	_ =	shalt  }
0x6d: {  	_ =	shalt  }
0x6e: {  	_ =	shalt  }
0x6f: {  	_ =	shalt  }
0x70: {  	_ =	shalt  }
0x71: {  	_ =	shalt  }
0x72: {  	_ =	shalt  }
0x73: {  	_ =	shalt  }
0x74: {  	_ =	shalt  }
0x75: {  	_ =	shalt  }
0x76: {  	_ =	shalt  }
0x77: {  	_ =	shalt  }
0x78: {  	_ =	shalt  }
0x79: {  	_ =	shalt  }
0x7a: {  	_ =	shalt  }
0x7b: {  	_ =	shalt  }
0x7c: {  	_ =	shalt  }
0x7d: {  	_ =	shalt  }
0x7e: {  	_ =	shalt  }
0x7f: {  	_ =	shalt  }
0x80: {  	_ =	shalt  }
0x81: {  	_ =	shalt  }
0x82: {  	_ =	shalt  }
0x83: {  	_ =	shalt  }
0x84: {  	_ =	shalt  }
0x85: {  	_ =	shalt  }
0x86: {  	_ =	shalt  }
0x87: {  	_ =	shalt  }
.Lfunc_end0:
.L_simem_size_0:
called_computation.1_lowered:
.L_overlay_start_0:
0x88: {  	s2 =	sld [smem:$0x3FD9]  }
0x89: {  	s3 =	sld [smem:$0x3FFE];
	_ =	sdelay $0x1  }
0x8a: {  	s1 =	srdreg.scid  }
0x8b: {  	s0 =	sand.u32 $0x1, s1  }
0x8c: {  	s17 =	sshll.u32 s0, $0xA;
	s2 =	sadd.s32 s3, s2  }
0x8d: {  	s2 =	sadd.s32 s2, s17  }
0x8e: {  	[smem:$0x3FC0] =	sst s2  }
0x8f: {  	_ = 	snop  }
0x90: {  	s2 =	sld [smem:$0x3FD0];
	(tm) =	ssettm $0x1  }
0x91: {  	s18 =	sld [smem:$0x3FFB];
	_ =	sdelay $0x3  }
0x92: {  	_ =	strace s18  }
0x93: {  	s3 =	sld [smem:$0x3FFC];
	_ =	sdelay $0x3  }
0x94: {  	_ =	strace s3  }
0x95: {  	s3 =	sld [smem:$0x3FFD];
	_ =	sdelay $0x3  }
0x96: {  	_ =	strace s3  }
0x97: {  	_ =	strace $0x8FFFFFFF  }
0x98: {  	s19 =	sld [smem:$0x3FDB];
	_ =	sdelay $0x1  }
0x99: {  	s4 =	simm.s32 $_scs_section_size  }
0x9a: {  	s5 =	simm.s32 $_size__tile_overlayer_lowered;
	s6 =	simm.s32 $_tile_overlayer_lowered  }
0x9b: {  	s22 =	simm.s32 $0x1BFF;
	s21 =	sshll.u32 s6, $0x1;
	s3 =	sadd.s32 s4, s19  }
0x9c: {  	s7 =	simm.s32 $0x0;
	s20 =	sshll.u32 s5, $0x1;
	s5 =	sadd.s32 s21, s3  }
0x9d: {  	[timem:s7], [sflag:s22] =	dma.local [hbm:s5], s20  }
0x9e: {  	_ =	swait.ge [sflag:s22], s20  }
0x9f: {  	s4 =	ssub.s32 $0x0, s20;
	[sflag:s22] =	ssyncset.done $0x0  }
0xa0: {  	[sflag:s22] =	ssyncadd.s32 s4;
	_ =	sdelay $0x1  }
0xa1: {  	s23 =	simm.s32 $0x1B8B  }
0xa2: {  	_ =	swait.ge [sflag:s23], $0x1  }
0xa3: {  	[sflag:s23] =	ssyncset.done $0x0  }
0xa4: {  	s25 =	simm.s32 $0x1B8E;
	s24 =	sld [smem:$0x3FFE];
	[sflag:s23] =	ssyncadd.s32 $0xFFFFFFFF  }
0xa5: {  	s26 =	simm.s32 $execute0_lowered;
	[smem:$0x3FD2] =	sst s25  }
0xa6: {  	s5 =	sshll.u32 s26, $0x1;
	_ =	strace $0x80000049;
	[dreg:$0x1] =	wrdreg $0xFFFFFFFF  }
0xa7: {  	s28 =	simm.s32 $_size_execute0_lowered;
	s3 =	sadd.s32 s3, s5;
	[dreg:$0x0] =	wrdreg $0x0  }
0xa8: {  	s5 =	sshll.u32 s28, $0x1;
	[dreg:$0x2] =	wrdreg s3  }
0xa9: {  	[dreg:$0x3] =	wrdreg s5  }
0xaa: {  	[dreg:$0x4] =	wrdreg $0xC0  }
0xab: {  	_ =	task [dreg:s7], $0x5FFFF  }
0xac: {  	[dreg:$0x1] =	wrdreg $0xFFFFFFFF  }
0xad: {  	[dreg:$0x0] =	wrdreg $0x60  }
0xae: {  	[dreg:$0x2] =	wrdreg s24  }
0xaf: {  	[dreg:$0x3] =	wrdreg s2  }
0xb0: {  	[dreg:$0x4] =	wrdreg $0x15D000  }
0xb1: {  	[dreg:$0x5] =	wrdreg $0xBD000  }
0xb2: {  	[dreg:$0x6] =	wrdreg $0x9  }
0xb3: {  	_ =	task.clear_ibuf [dreg:s7], $0x7FFFF;
	_ =	strace $0x90000049  }
0xb4: {  	s29 =	simm.s32 $0x9;
	_ =	strace $0x8000004B  }
0xb5: {  	_ =	swait.ge [sflag:s29], $0x1  }
0xb6: {  	[sflag:s29] =	ssyncadd.s32 $0xFFFFFFFF  }
0xb7: {  	_ =	strace $0x9000004B  }
0xb8: {  	_ =	sfence  }
0xb9: {  	s30 =	sld [smem:$0x0];
	_ =	sdelay $0x2  }
0xba: {  	s31 =	sshll.u32 s1, $0xD;
	s1 =	sshrl.u32 s1, $0x2  }
0xbb: {  	s3 =	sand.u32 $0x4000, s31;
	s1 =	sadd.s32 s1, s30  }
0xbc: {  	s0 =	sor.u32 s3, s0;
	s1 =	sshll.u32 s1, $0x11  }
0xbd: {  	s0 =	sor.u32 s1, s0  }
0xbe: {  	s0 =	sadd.s32 $0x8F2B, s0  }
0xbf: {  	[sflag:s0] =	ssyncadd.remote.s32 $0x1  }
0xc0: {  	_ =	sfence.sel $0xFFFF  }
0xc1: {  	[dreg:$0x0] =	wrdreg $0xFFFFFFFF;
	(pc) =	sbr.abs _section_cstart, $3  }
0xc2: {  	[dreg:$0x1] =	wrdreg $0xFFFFFFFF  }
0xc3: {  	_ =	task.clear_ibuf [dreg:s7], $0x2FFFF;
	_ =	strace $0x9FFFFFFF  }
0xc4: {  	(tm) =	ssettm $0x7FFFFFFF  }
0xc5: {  	_ =	shalt  }
tec
execute0_lowered:
.L_overlay_start_1:
0x0: {  	(tag) =	ssettag $0x1  }
0x1: {  	s5 =	rddreg [dreg:$0x0]  }
0x2: {  	s6 =	rddreg [dreg:$0x1]  }
0x3: {  	s2 =	rddreg [dreg:$0x2]  }
0x4: {  	s3 =	rddreg [dreg:$0x3]  }
0x5: {  	s0 =	rddreg [dreg:$0x4];
	s1 =	stileid.u32  }
0x6: {  	s4 =	simm.s32 $0x0;
	s8 =	srdreg.scid;
	s17 =	simm.s32 $0x1  }
0x7: {  	s7 =	smul.u32 $0x9C40, s1;
	[smem:$0x7FF] =	sst s4;
	s8 =	sand.u32 $0x1, s8  }
0x8: {  	s9 =	sshll.u32 s1, $0x1;
	s11 =	smul.u32 $0xA000, s1;
	s31 =	sshll.u32 s1, $0x6  }
0x9: {  	s9 =	sor.u32 s8, s9;
	_ =	strace $0x8000004A;
	s12 =	smul.u32 $0x14000, s8  }
0xa: {  	s8 =	ssub.s32 $0x2, s8;
	s10 =	sshrl.u32 s7, $0x3;
	s9 =	smul.u32 $0x9D0, s9  }
0xb: {  	s18 =	sshrl.u32 s11, $0x3;
	s15 =	sshrl.u32 s8, $0x1;
	s30 =	sadd.s32 s7, s2  }
0xc: {  	s16 =	sadd.s32 s11, s3;
	s11 =	simm.s32 $0x4E80;
	s10 =	sadd.s32 s10, s5  }
0xd: {  	s14 =	sadd.s32 s18, s5;
	s12 =	sadd.s32 s12, s5;
	s15 =	ssub.s32 s8, s15  }
0xe: {  	s13 =	sadd.s32 s9, s5;
	s6 =	sadd.s32 s6, s9;
	s7 =	sadd.s32 $0x20600, s10  }
0xf: {  	s8 =	sadd.s32 $0x34000, s14;
	s19 =	sadd.s32 $0x48000, s12;
	s9 =	smax.u32 s15, $0x1  }
0x10: {  	s10 =	simm.s32 $0x2;
	s12 =	sor.u32 $0x1C02, s31;
	s14 =	sshrl.u32 s16, $0x3  }
0x11: {  	s15 =	simm.s32 $0x80;
	s16 =	simm.s32 $0x9D00;
	s5 =	sadd.s32 $0xCC00, s13  }
0x12: {  	s13 =	sshrl.u32 s30, $0x3;
	s18 =	sadd.s32 s18, s19;
	s19 =	simm.s32 $0x0  }
.LBB2_1:
0x13: {  	[tilespmem:s4], [sflag:$0x2] =	stream.linear.gather [hbm4b:s5+s4], $0x4E80, $0x38;
	[tilespmem:$0x1F940] =	vst v63  }
0x14: {  	_ =	swait.ge [sflag:s10], $0x4E80  }
0x15: {  	[sflag:s10] =	ssyncset.done $0x0  }
0x16: {  	[sflag:s10] =	ssyncadd.s32 $0xFFFFB180  }
0x17: {  	[tilespmem:s11], [sflag:$0x2] =	stream.linear.gather [hbm4b:s6+s4], $0x4E80, $0x38;
	[tilespmem:$0x1F940] =	vst v63  }
0x18: {  	_ =	swait.ge [sflag:s10], $0x4E80  }
0x19: {  	[sflag:s10] =	ssyncset.done $0x0  }
0x1a: {  	[sflag:s10] =	ssyncadd.s32 $0xFFFFB180  }
0x1b: {  	[spmem:s13], [sflag:s12] =	dma.local [hbm:s7], $0x1388  }
0x1c: {  	_ =	swait.ge [sflag:s10], $0x1388  }
0x1d: {  	[sflag:s10] =	ssyncset.done $0x0  }
0x1e: {  	[sflag:s10] =	ssyncadd.s32 $0xFFFFEC78  }
0x1f: {  	[spmem:s14], [sflag:s12] =	dma.local [hbm:s8], $0x1400  }
0x20: {  	_ =	swait.ge [sflag:s10], $0x1400  }
0x21: {  	[sflag:s10] =	ssyncset.done $0x0  }
0x22: {  	[sflag:s10] =	ssyncadd.s32 $0xFFFFEC00  }
0x23: {  	s20 =	simm.s32 $0x0;
	[bflag:$0x0] =	sbarrier.arrive $0xFFFF  }
0x24: {  	[tilespmem:s16], [sflag:$0x1] =	stream.indirect.gather [spmem:s2], $0x40, s20, s15, $0xb8;
	[tilespmem:$0x1F940] =	vst v63  }
0x25: {  	_ =	swait.ge [sflag:s17], $0x2000  }
0x26: {  	[sflag:s17] =	ssyncset.done $0x0  }
0x27: {  	s31 =	simm.s32 $0x4E80;
	[sflag:s17] =	ssyncadd.s32 $0xFFFFE000  }
0x28: {  	[spmem:s3] =	stream.indirect.scatter.add.f32 [tilespmem:s16], [sflag:$0x2], $0x40, s31, s15, $0xb8;
	[tilespmem:$0x1F940] =	vst v63  }
0x29: {  	_ =	swait.ge [sflag:s10], $0x2000  }
0x2a: {  	s21 =	simm.s32 $0x400;
	s20 =	simm.s32 $0x200;
	[sflag:s10] =	ssyncset.done $0x0  }
.LBB2_2:
0x2b: {  	s22 =	sshra.s32 s20, $0x2  }
0x2c: {  	[sflag:s10] =	ssyncadd.s32 $0xFFFFE000;
	s20 =	smov.u32 s21;
	s23 =	sadd.s32 $0x200, s21  }
0x2d: {  	[tilespmem:s16], [sflag:$0x1] =	stream.indirect.gather [spmem:s2], $0x40, s22, s15, $0xb8;
	[tilespmem:$0x1F940] =	vst v63  }
0x2e: {  	p0 =	sne.s32 s21, $0x13800;
	_ =	swait.ge [sflag:s17], $0x2000  }
.Ltmp0:
0x2f: {  	[sflag:s17] =	ssyncset.done $0x0;
	(pc) =	sbr.rel @p0 .LBB2_2-.Ltmp0, $4  }
0x30: {  	s21 =	sadd.s32 $0x4E80, s22;
	[sflag:s17] =	ssyncadd.s32 $0xFFFFE000  }
0x31: {  	[spmem:s3] =	stream.indirect.scatter.add.f32 [tilespmem:s16], [sflag:$0x2], $0x40, s21, s15, $0xb8;
	[tilespmem:$0x1F940] =	vst v63  }
0x32: {  	_ =	swait.ge [sflag:s10], $0x2000  }
0x33: {  	s21 =	smov.u32 s23;
	[sflag:s10] =	ssyncset.done $0x0  }
0x34: {  	s20 =	sshra.s32 s20, $0x2;
	[sflag:s10] =	ssyncadd.s32 $0xFFFFE000  }
0x35: {  	[tilespmem:s16], [sflag:$0x1] =	stream.indirect.gather [spmem:s2], $0x40, s20, s15, $0xb8;
	[tilespmem:$0x1F940] =	vst v63  }
0x36: {  	_ =	swait.ge [sflag:s17], $0x2000  }
0x37: {  	[sflag:s17] =	ssyncset.done $0x0  }
0x38: {  	s20 =	sadd.s32 $0x4E80, s20;
	[sflag:s17] =	ssyncadd.s32 $0xFFFFE000  }
0x39: {  	[spmem:s3] =	stream.indirect.scatter.add.f32 [tilespmem:s16], [sflag:$0x2], $0x40, s20, s15, $0xb8;
	[tilespmem:$0x1F940] =	vst v63  }
0x3a: {  	_ =	swait.ge [sflag:s10], $0x2000  }
0x3b: {  	s19 =	sadd.s32 $0x1, s19;
	[sflag:s10] =	ssyncset.done $0x0  }
0x3c: {  	p0 =	sne.s32 s19, s9;
	[sflag:s10] =	ssyncadd.s32 $0xFFFFE000  }
.Ltmp1:
0x3d: {  	[bflag:$0x0] =	sbarrier.arrive $0xFFFF;
	(pc) =	sbr.rel @p0 .LBB2_1-.Ltmp1, $4  }
0x3e: {  	[hbm:s18], [sflag:s12] =	dma.local [spmem:s14], $0x1400  }
0x3f: {  	_ =	swait.ge [sflag:s10], $0x1400  }
0x40: {  	[sflag:s10] =	ssyncset.done $0x0  }
0x41: {  	[sflag:s10] =	ssyncadd.s32 $0xFFFFEC00  }
0x42: {  	_ =	sfence.sel $0x180000  }
0x43: {  	[bflag:$0x0] =	sbarrier.arrive $0xFFFF  }
0x44: {  	p0 =	sne.s32 s1, $0x0;
	_ =	strace $0x9000004A  }
0x45: {  	s0 =	sadd.s32 @!p0 $0x100000, s0;
	[bflag:$0x2] =	sbarrier.arrive $0xFFFF  }
0x46: {  	[sflag:s0] =	ssyncadd.tile.s32 @!p0 $0x1;
	_ =	shalt  }
.Lfunc_end2:
_tile_overlayer_lowered:
.L_overlay_start_2:
0x47: {  	(tag) =	ssettag $0x2  }
0x48: {  	s0 =	rddreg [dreg:$0x0];
	s2 =	stileid.u32  }
0x49: {  	s1 =	rddreg [dreg:$0x1];
	p0 =	sne.s32 s2, $0x0  }
0x4a: {  	s3 =	rddreg [dreg:$0x2];
	[bflag:$0x3] =	sbarrier.arrive $0xFFFF;
	s2 =	simm.s32 @!p0 $0x1C02  }
0x4b: {  	[timem:s3], [sflag:s2] =	dma.local @!p0 [hbm:s0], s1  }
0x4c: {  	s0 =	simm.s32 @!p0 $0x2  }
0x4d: {  	_ =	swait.ge @!p0 [sflag:s0], s1  }
0x4e: {  	s1 =	ssub.s32 @!p0 $0x0, s1;
	[sflag:s0] =	ssyncset.done @!p0 $0x0  }
0x4f: {  	[sflag:s0] =	ssyncadd.s32 @!p0 s1  }
0x50: {  	[bflag:$0x3] =	sbarrier.arrive $0xFFFF  }
0x51: {  	_ =	shalt  }

// kernel: kernel.16.cloned.1.call-start
scs
__scs_entry_jumppad:
0x0: {  	(pc) =	sbr.rel $0x88, $3  }
0x1: {  	(tag) =	ssettag $0x0;
	lr =	simm.s32 $0x1  }
0x2: {  	[smem:$0x3F99] =	sst lr;
	_ =	strace $0xD0000000  }
0x3: {  	_ = 	snop  }
0x4: {  	_ = 	snop  }
0x5: {  	_ = 	snop  }
0x6: {  	_ = 	snop  }
0x7: {  	_ = 	snop  }
__scs_overlays_trampoline_lowered:
0x8: {  	[smem:$0x3FA8] =	sst s0  }
0x9: {  	[smem:$0x3FA9] =	sst s1  }
0xa: {  	[smem:$0x3FAA] =	sst s2  }
0xb: {  	[smem:$0x3FAB] =	sst s3  }
0xc: {  	[smem:$0x3FAC] =	sst s4  }
0xd: {  	[smem:$0x3FAD] =	sst s5  }
0xe: {  	[smem:$0x3FAE] =	sst s6  }
0xf: {  	[smem:$0x3FAF] =	sst s7  }
0x10: {  	[smem:$0x3FB0] =	sst s8  }
0x11: {  	[smem:$0x3FB1] =	sst s9;
	s0 =	simm.s32 @!p0 $0x0  }
0x12: {  	s1 =	sld [smem:$0x3F97];
	s0 =	simm.s32 @p0 $0x1  }
0x13: {  	[smem:$0x3FB2] =	sst s0;
	s0 =	simm.s32 @!p1 $0x0  }
0x14: {  	s2 =	sld [smem:$0x3F96];
	s0 =	simm.s32 @p1 $0x1  }
0x15: {  	[smem:$0x3FB3] =	sst s0;
	s0 =	simm.s32 @!p2 $0x0  }
0x16: {  	s3 =	sld [smem:$0x3FDB];
	s0 =	simm.s32 @p2 $0x1  }
0x17: {  	s4 =	simm.s32 $0x1BF5;
	[smem:$0x3FB5] =	sst s0  }
0x18: {  	s0 =	sld [smem:$0x3F98];
	_ =	swait.ge [sflag:s4], $0x0  }
0x19: {  	s7 =	sld [smem:$0x3F99]  }
0x1a: {  	s8 =	sadd.s32 $0xFFFFE003, lr  }
0x1b: {  	s9 =	sadd.s32 $0xFFFFFEF7, lr;
	s5 =	simm.s32 $0xFFFFFFFF;
	p2 =	slt.u32 s8, $0xFFFFF086  }
0x1c: {  	p1 =	slt.u32 s9, $0xF7A;
	s5 =	simm.s32 @!p2 $0x0  }
0x1d: {  	s5 =	simm.s32 @p1 $0x1;
	p0 =	seq.s32 s7, s2  }
0x1e: {  	s7 =	smul.u32 @!p0 $0xF7A, s2;
	p2 =	seq.s32 @!p0 s5, $0x0  }
0x1f: {  	s9 =	smul.u32 $0xF7A, s1;
	s8 =	simm.s32 @!p0 $0x1BF5;
	p2 =	por !p2, p0  }
0x20: {  	[sflag:s8] =	ssyncset.s32 @!p0 $0xFFFFF086;
	s6 =	sadd.s32 @!p0 s3, s7;
	s7 =	simm.s32 @!p0 $0x108  }
0x21: {  	s3 =	sadd.s32 s3, s9;
	s6 =	sadd.s32 @!p0 $0x88, s6;
	s7 =	simm.s32 @p2 $0x1082  }
0x22: {  	[simem:s7], [sflag:s8] =	dma.local @!p0 [hbm:s6], $0xF7A  }
0x23: {  	s9 =	sor.u32 $0xD0000000, s2;
	s6 =	simm.s32 $0x108;
	_ =	swait.ge @!p0 [sflag:s8], $0x0  }
0x24: {  	s3 =	sadd.s32 $0x88, s3;
	s6 =	simm.s32 @!p1 $0x1082;
	[sflag:s4] =	ssyncset.s32 $0xFFFFF086  }
0x25: {  	[simem:s6], [sflag:s4] =	dma.local [hbm:s3], $0xF7A  }
0x26: {  	[smem:$0x3F99] =	sst s1;
	(tag) =	ssettag s2;
	_ =	strace s9  }
0x27: {  	s1 =	sld [smem:$0x3FA9]  }
0x28: {  	s2 =	sld [smem:$0x3FAA]  }
0x29: {  	s4 =	sld [smem:$0x3FAC]  }
0x2a: {  	p0 =	seq.s32 s5, $0x0;
	s5 =	sld [smem:$0x3FAD]  }
0x2b: {  	s6 =	sld [smem:$0x3FAE]  }
0x2c: {  	s7 =	sld [smem:$0x3FAF]  }
0x2d: {  	s3 =	simm.s32 $0x108;
	s8 =	sld [smem:$0x3FB0]  }
0x2e: {  	s3 =	simm.s32 @!p0 $0x1082;
	s9 =	sld [smem:$0x3FB1]  }
0x2f: {  	lr =	sadd.s32 s0, s3;
	s0 =	sld [smem:$0x3FA8]  }
0x30: {  	s3 =	sld [smem:$0x3FAB]  }
0x31: {  	[smem:$0x3FB4] =	sst s10  }
0x32: {  	s10 =	sld [smem:$0x3FB2];
	_ =	sdelay $0x3  }
0x33: {  	p0 =	seq.s32 s10, $0x1;
	s10 =	sld [smem:$0x3FB4];
	_ =	sdelay $0x3  }
0x34: {  	[smem:$0x3FB4] =	sst s10  }
0x35: {  	s10 =	sld [smem:$0x3FB3];
	_ =	sdelay $0x3  }
0x36: {  	p1 =	seq.s32 s10, $0x1;
	s10 =	sld [smem:$0x3FB4];
	_ =	sdelay $0x3  }
0x37: {  	[smem:$0x3FB4] =	sst s10  }
0x38: {  	s10 =	sld [smem:$0x3FB5]  }
0x39: {  	_ = 	snop;
	(pc) =	sbr.ind lr, $3  }
0x3a: {  	_ = 	snop  }
0x3b: {  	_ = 	snop  }
0x3c: {  	p2 =	seq.s32 s10, $0x1;
	s10 =	sld [smem:$0x3FB4]  }
0x3d: {  	_ =	shalt  }
0x3e: {  	_ =	shalt  }
0x3f: {  	_ =	shalt  }
0x40: {  	_ =	shalt  }
0x41: {  	_ =	shalt  }
0x42: {  	_ =	shalt  }
0x43: {  	_ =	shalt  }
0x44: {  	_ =	shalt  }
0x45: {  	_ =	shalt  }
0x46: {  	_ =	shalt  }
0x47: {  	_ =	shalt  }
0x48: {  	_ =	shalt  }
0x49: {  	_ =	shalt  }
0x4a: {  	_ =	shalt  }
0x4b: {  	_ =	shalt  }
0x4c: {  	_ =	shalt  }
0x4d: {  	_ =	shalt  }
0x4e: {  	_ =	shalt  }
0x4f: {  	_ =	shalt  }
0x50: {  	_ =	shalt  }
0x51: {  	_ =	shalt  }
0x52: {  	_ =	shalt  }
0x53: {  	_ =	shalt  }
0x54: {  	_ =	shalt  }
0x55: {  	_ =	shalt  }
0x56: {  	_ =	shalt  }
0x57: {  	_ =	shalt  }
0x58: {  	_ =	shalt  }
0x59: {  	_ =	shalt  }
0x5a: {  	_ =	shalt  }
0x5b: {  	_ =	shalt  }
0x5c: {  	_ =	shalt  }
0x5d: {  	_ =	shalt  }
0x5e: {  	_ =	shalt  }
0x5f: {  	_ =	shalt  }
0x60: {  	_ =	shalt  }
0x61: {  	_ =	shalt  }
0x62: {  	_ =	shalt  }
0x63: {  	_ =	shalt  }
0x64: {  	_ =	shalt  }
0x65: {  	_ =	shalt  }
0x66: {  	_ =	shalt  }
0x67: {  	_ =	shalt  }
0x68: {  	_ =	shalt  }
0x69: {  	_ =	shalt  }
0x6a: {  	_ =	shalt  }
0x6b: {  	_ =	shalt  }
0x6c: {  	_ =	shalt  }
0x6d: {  	_ =	shalt  }
0x6e: {  	_ =	shalt  }
0x6f: {  	_ =	shalt  }
0x70: {  	_ =	shalt  }
0x71: {  	_ =	shalt  }
0x72: {  	_ =	shalt  }
0x73: {  	_ =	shalt  }
0x74: {  	_ =	shalt  }
0x75: {  	_ =	shalt  }
0x76: {  	_ =	shalt  }
0x77: {  	_ =	shalt  }
0x78: {  	_ =	shalt  }
0x79: {  	_ =	shalt  }
0x7a: {  	_ =	shalt  }
0x7b: {  	_ =	shalt  }
0x7c: {  	_ =	shalt  }
0x7d: {  	_ =	shalt  }
0x7e: {  	_ =	shalt  }
0x7f: {  	_ =	shalt  }
0x80: {  	_ =	shalt  }
0x81: {  	_ =	shalt  }
0x82: {  	_ =	shalt  }
0x83: {  	_ =	shalt  }
0x84: {  	_ =	shalt  }
0x85: {  	_ =	shalt  }
0x86: {  	_ =	shalt  }
0x87: {  	_ =	shalt  }
.Lfunc_end0:
.L_simem_size_0:
called_computation.2_lowered:
.L_overlay_start_0:
0x88: {  	s2 =	sld [smem:$0x3FD9]  }
0x89: {  	s3 =	sld [smem:$0x3FFE];
	_ =	sdelay $0x1  }
0x8a: {  	s1 =	srdreg.scid  }
0x8b: {  	s0 =	sand.u32 $0x1, s1  }
0x8c: {  	s17 =	sshll.u32 s0, $0xA;
	s2 =	sadd.s32 s3, s2  }
0x8d: {  	s2 =	sadd.s32 s2, s17  }
0x8e: {  	[smem:$0x3FC0] =	sst s2  }
0x8f: {  	_ = 	snop  }
0x90: {  	s2 =	sld [smem:$0x3FD0];
	(tm) =	ssettm $0x1  }
0x91: {  	s18 =	sld [smem:$0x3FFB];
	_ =	sdelay $0x3  }
0x92: {  	_ =	strace s18  }
0x93: {  	s3 =	sld [smem:$0x3FFC];
	_ =	sdelay $0x3  }
0x94: {  	_ =	strace s3  }
0x95: {  	s3 =	sld [smem:$0x3FFD];
	_ =	sdelay $0x3  }
0x96: {  	_ =	strace s3  }
0x97: {  	_ =	strace $0x8FFFFFFF  }
0x98: {  	s19 =	sld [smem:$0x3FDB];
	_ =	sdelay $0x1  }
0x99: {  	s4 =	simm.s32 $_scs_section_size  }
0x9a: {  	s5 =	simm.s32 $_size__tile_overlayer_lowered;
	s6 =	simm.s32 $_tile_overlayer_lowered  }
0x9b: {  	s22 =	simm.s32 $0x1BFF;
	s21 =	sshll.u32 s6, $0x1;
	s3 =	sadd.s32 s4, s19  }
0x9c: {  	s7 =	simm.s32 $0x0;
	s20 =	sshll.u32 s5, $0x1;
	s5 =	sadd.s32 s21, s3  }
0x9d: {  	[timem:s7], [sflag:s22] =	dma.local [hbm:s5], s20  }
0x9e: {  	_ =	swait.ge [sflag:s22], s20  }
0x9f: {  	s4 =	ssub.s32 $0x0, s20;
	[sflag:s22] =	ssyncset.done $0x0  }
0xa0: {  	[sflag:s22] =	ssyncadd.s32 s4;
	_ =	sdelay $0x1  }
0xa1: {  	s23 =	simm.s32 $0x1B8B  }
0xa2: {  	_ =	swait.ge [sflag:s23], $0x1  }
0xa3: {  	[sflag:s23] =	ssyncset.done $0x0  }
0xa4: {  	s25 =	simm.s32 $0x1B8E;
	s24 =	sld [smem:$0x3FFE];
	[sflag:s23] =	ssyncadd.s32 $0xFFFFFFFF  }
0xa5: {  	s26 =	simm.s32 $execute0_lowered;
	[smem:$0x3FD2] =	sst s25  }
0xa6: {  	s5 =	sshll.u32 s26, $0x1;
	_ =	strace $0x8000004C;
	[dreg:$0x1] =	wrdreg $0xFFFFFFFF  }
0xa7: {  	s28 =	simm.s32 $_size_execute0_lowered;
	s3 =	sadd.s32 s3, s5;
	[dreg:$0x0] =	wrdreg $0x0  }
0xa8: {  	s5 =	sshll.u32 s28, $0x1;
	[dreg:$0x2] =	wrdreg s3  }
0xa9: {  	[dreg:$0x3] =	wrdreg s5  }
0xaa: {  	[dreg:$0x4] =	wrdreg $0xC0  }
0xab: {  	_ =	task [dreg:s7], $0x5FFFF  }
0xac: {  	[dreg:$0x1] =	wrdreg $0xFFFFFFFF  }
0xad: {  	[dreg:$0x0] =	wrdreg $0x60  }
0xae: {  	[dreg:$0x2] =	wrdreg s24  }
0xaf: {  	[dreg:$0x3] =	wrdreg s2  }
0xb0: {  	[dreg:$0x4] =	wrdreg $0x15D000  }
0xb1: {  	[dreg:$0x5] =	wrdreg $0xBD000  }
0xb2: {  	[dreg:$0x6] =	wrdreg $0x9  }
0xb3: {  	_ =	task.clear_ibuf [dreg:s7], $0x7FFFF;
	_ =	strace $0x9000004C  }
0xb4: {  	s29 =	simm.s32 $0x9;
	_ =	strace $0x8000004E  }
0xb5: {  	_ =	swait.ge [sflag:s29], $0x1  }
0xb6: {  	[sflag:s29] =	ssyncadd.s32 $0xFFFFFFFF  }
0xb7: {  	_ =	strace $0x9000004E  }
0xb8: {  	_ =	sfence  }
0xb9: {  	s30 =	sld [smem:$0x0];
	_ =	sdelay $0x2  }
0xba: {  	s31 =	sshll.u32 s1, $0xD;
	s1 =	sshrl.u32 s1, $0x2  }
0xbb: {  	s3 =	sand.u32 $0x4000, s31;
	s1 =	sadd.s32 s1, s30  }
0xbc: {  	s0 =	sor.u32 s3, s0;
	s1 =	sshll.u32 s1, $0x11  }
0xbd: {  	s0 =	sor.u32 s1, s0  }
0xbe: {  	s0 =	sadd.s32 $0x8F2B, s0  }
0xbf: {  	[sflag:s0] =	ssyncadd.remote.s32 $0x1  }
0xc0: {  	_ =	sfence.sel $0xFFFF  }
0xc1: {  	[dreg:$0x0] =	wrdreg $0xFFFFFFFF;
	(pc) =	sbr.abs _section_cstart, $3  }
0xc2: {  	[dreg:$0x1] =	wrdreg $0xFFFFFFFF  }
0xc3: {  	_ =	task.clear_ibuf [dreg:s7], $0x2FFFF;
	_ =	strace $0x9FFFFFFF  }
0xc4: {  	(tm) =	ssettm $0x7FFFFFFF  }
0xc5: {  	_ =	shalt  }
tec
execute0_lowered:
.L_overlay_start_1:
0x0: {  	(tag) =	ssettag $0x1  }
0x1: {  	s5 =	rddreg [dreg:$0x0]  }
0x2: {  	s6 =	rddreg [dreg:$0x1]  }
0x3: {  	s2 =	rddreg [dreg:$0x2]  }
0x4: {  	s3 =	rddreg [dreg:$0x3]  }
0x5: {  	s0 =	rddreg [dreg:$0x4];
	s1 =	stileid.u32  }
0x6: {  	s4 =	simm.s32 $0x0;
	s8 =	srdreg.scid;
	s17 =	simm.s32 $0x1  }
0x7: {  	s7 =	smul.u32 $0x9C40, s1;
	[smem:$0x7FF] =	sst s4;
	s8 =	sand.u32 $0x1, s8  }
0x8: {  	s9 =	sshll.u32 s1, $0x1;
	s11 =	smul.u32 $0xA000, s1;
	s31 =	sshll.u32 s1, $0x6  }
0x9: {  	s9 =	sor.u32 s8, s9;
	_ =	strace $0x8000004D;
	s12 =	smul.u32 $0x14000, s8  }
0xa: {  	s8 =	ssub.s32 $0x2, s8;
	s10 =	sshrl.u32 s7, $0x3;
	s9 =	smul.u32 $0x9D0, s9  }
0xb: {  	s18 =	sshrl.u32 s11, $0x3;
	s15 =	sshrl.u32 s8, $0x1;
	s30 =	sadd.s32 s7, s2  }
0xc: {  	s16 =	sadd.s32 s11, s3;
	s11 =	simm.s32 $0x4E80;
	s10 =	sadd.s32 s10, s5  }
0xd: {  	s14 =	sadd.s32 s18, s5;
	s12 =	sadd.s32 s12, s5;
	s15 =	ssub.s32 s8, s15  }
0xe: {  	s13 =	sadd.s32 s9, s5;
	s6 =	sadd.s32 s6, s9;
	s7 =	sadd.s32 $0x20600, s10  }
0xf: {  	s8 =	sadd.s32 $0x34000, s14;
	s19 =	sadd.s32 $0x48000, s12;
	s9 =	smax.u32 s15, $0x1  }
0x10: {  	s10 =	simm.s32 $0x2;
	s12 =	sor.u32 $0x1C02, s31;
	s14 =	sshrl.u32 s16, $0x3  }
0x11: {  	s15 =	simm.s32 $0x80;
	s16 =	simm.s32 $0x9D00;
	s5 =	sadd.s32 $0xCC00, s13  }
0x12: {  	s13 =	sshrl.u32 s30, $0x3;
	s18 =	sadd.s32 s18, s19;
	s19 =	simm.s32 $0x0  }
.LBB2_1:
0x13: {  	[tilespmem:s4], [sflag:$0x2] =	stream.linear.gather [hbm4b:s5+s4], $0x4E80, $0x38;
	[tilespmem:$0x1F940] =	vst v63  }
0x14: {  	_ =	swait.ge [sflag:s10], $0x4E80  }
0x15: {  	[sflag:s10] =	ssyncset.done $0x0  }
0x16: {  	[sflag:s10] =	ssyncadd.s32 $0xFFFFB180  }
0x17: {  	[tilespmem:s11], [sflag:$0x2] =	stream.linear.gather [hbm4b:s6+s4], $0x4E80, $0x38;
	[tilespmem:$0x1F940] =	vst v63  }
0x18: {  	_ =	swait.ge [sflag:s10], $0x4E80  }
0x19: {  	[sflag:s10] =	ssyncset.done $0x0  }
0x1a: {  	[sflag:s10] =	ssyncadd.s32 $0xFFFFB180  }
0x1b: {  	[spmem:s13], [sflag:s12] =	dma.local [hbm:s7], $0x1388  }
0x1c: {  	_ =	swait.ge [sflag:s10], $0x1388  }
0x1d: {  	[sflag:s10] =	ssyncset.done $0x0  }
0x1e: {  	[sflag:s10] =	ssyncadd.s32 $0xFFFFEC78  }
0x1f: {  	[spmem:s14], [sflag:s12] =	dma.local [hbm:s8], $0x1400  }
0x20: {  	_ =	swait.ge [sflag:s10], $0x1400  }
0x21: {  	[sflag:s10] =	ssyncset.done $0x0  }
0x22: {  	[sflag:s10] =	ssyncadd.s32 $0xFFFFEC00  }
0x23: {  	s20 =	simm.s32 $0x0;
	[bflag:$0x0] =	sbarrier.arrive $0xFFFF  }
0x24: {  	[tilespmem:s16], [sflag:$0x1] =	stream.indirect.gather [spmem:s2], $0x40, s20, s15, $0xb8;
	[tilespmem:$0x1F940] =	vst v63  }
0x25: {  	_ =	swait.ge [sflag:s17], $0x2000  }
0x26: {  	[sflag:s17] =	ssyncset.done $0x0  }
0x27: {  	s31 =	simm.s32 $0x4E80;
	[sflag:s17] =	ssyncadd.s32 $0xFFFFE000  }
0x28: {  	[spmem:s3] =	stream.indirect.scatter.add.f32 [tilespmem:s16], [sflag:$0x2], $0x40, s31, s15, $0xb8;
	[tilespmem:$0x1F940] =	vst v63  }
0x29: {  	_ =	swait.ge [sflag:s10], $0x2000  }
0x2a: {  	s21 =	simm.s32 $0x400;
	s20 =	simm.s32 $0x200;
	[sflag:s10] =	ssyncset.done $0x0  }
.LBB2_2:
0x2b: {  	s22 =	sshra.s32 s20, $0x2  }
0x2c: {  	[sflag:s10] =	ssyncadd.s32 $0xFFFFE000;
	s20 =	smov.u32 s21;
	s23 =	sadd.s32 $0x200, s21  }
0x2d: {  	[tilespmem:s16], [sflag:$0x1] =	stream.indirect.gather [spmem:s2], $0x40, s22, s15, $0xb8;
	[tilespmem:$0x1F940] =	vst v63  }
0x2e: {  	p0 =	sne.s32 s21, $0x13800;
	_ =	swait.ge [sflag:s17], $0x2000  }
.Ltmp0:
0x2f: {  	[sflag:s17] =	ssyncset.done $0x0;
	(pc) =	sbr.rel @p0 .LBB2_2-.Ltmp0, $4  }
0x30: {  	s21 =	sadd.s32 $0x4E80, s22;
	[sflag:s17] =	ssyncadd.s32 $0xFFFFE000  }
0x31: {  	[spmem:s3] =	stream.indirect.scatter.add.f32 [tilespmem:s16], [sflag:$0x2], $0x40, s21, s15, $0xb8;
	[tilespmem:$0x1F940] =	vst v63  }
0x32: {  	_ =	swait.ge [sflag:s10], $0x2000  }
0x33: {  	s21 =	smov.u32 s23;
	[sflag:s10] =	ssyncset.done $0x0  }
0x34: {  	s20 =	sshra.s32 s20, $0x2;
	[sflag:s10] =	ssyncadd.s32 $0xFFFFE000  }
0x35: {  	[tilespmem:s16], [sflag:$0x1] =	stream.indirect.gather [spmem:s2], $0x40, s20, s15, $0xb8;
	[tilespmem:$0x1F940] =	vst v63  }
0x36: {  	_ =	swait.ge [sflag:s17], $0x2000  }
0x37: {  	[sflag:s17] =	ssyncset.done $0x0  }
0x38: {  	s20 =	sadd.s32 $0x4E80, s20;
	[sflag:s17] =	ssyncadd.s32 $0xFFFFE000  }
0x39: {  	[spmem:s3] =	stream.indirect.scatter.add.f32 [tilespmem:s16], [sflag:$0x2], $0x40, s20, s15, $0xb8;
	[tilespmem:$0x1F940] =	vst v63  }
0x3a: {  	_ =	swait.ge [sflag:s10], $0x2000  }
0x3b: {  	s19 =	sadd.s32 $0x1, s19;
	[sflag:s10] =	ssyncset.done $0x0  }
0x3c: {  	p0 =	sne.s32 s19, s9;
	[sflag:s10] =	ssyncadd.s32 $0xFFFFE000  }
.Ltmp1:
0x3d: {  	[bflag:$0x0] =	sbarrier.arrive $0xFFFF;
	(pc) =	sbr.rel @p0 .LBB2_1-.Ltmp1, $4  }
0x3e: {  	[hbm:s18], [sflag:s12] =	dma.local [spmem:s14], $0x1400  }
0x3f: {  	_ =	swait.ge [sflag:s10], $0x1400  }
0x40: {  	[sflag:s10] =	ssyncset.done $0x0  }
0x41: {  	[sflag:s10] =	ssyncadd.s32 $0xFFFFEC00  }
0x42: {  	_ =	sfence.sel $0x180000  }
0x43: {  	[bflag:$0x0] =	sbarrier.arrive $0xFFFF  }
0x44: {  	p0 =	sne.s32 s1, $0x0;
	_ =	strace $0x9000004D  }
0x45: {  	s0 =	sadd.s32 @!p0 $0x100000, s0;
	[bflag:$0x2] =	sbarrier.arrive $0xFFFF  }
0x46: {  	[sflag:s0] =	ssyncadd.tile.s32 @!p0 $0x1;
	_ =	shalt  }
.Lfunc_end2:
_tile_overlayer_lowered:
.L_overlay_start_2:
0x47: {  	(tag) =	ssettag $0x2  }
0x48: {  	s0 =	rddreg [dreg:$0x0];
	s2 =	stileid.u32  }
0x49: {  	s1 =	rddreg [dreg:$0x1];
	p0 =	sne.s32 s2, $0x0  }
0x4a: {  	s3 =	rddreg [dreg:$0x2];
	[bflag:$0x3] =	sbarrier.arrive $0xFFFF;
	s2 =	simm.s32 @!p0 $0x1C02  }
0x4b: {  	[timem:s3], [sflag:s2] =	dma.local @!p0 [hbm:s0], s1  }
0x4c: {  	s0 =	simm.s32 @!p0 $0x2  }
0x4d: {  	_ =	swait.ge @!p0 [sflag:s0], s1  }
0x4e: {  	s1 =	ssub.s32 @!p0 $0x0, s1;
	[sflag:s0] =	ssyncset.done @!p0 $0x0  }
0x4f: {  	[sflag:s0] =	ssyncadd.s32 @!p0 s1  }
0x50: {  	[bflag:$0x3] =	sbarrier.arrive $0xFFFF  }
0x51: {  	_ =	shalt  }

// kernel: kernel.19.cloned.1.call-start
scs
__scs_entry_jumppad:
0x0: {  	(pc) =	sbr.rel $0x88, $3  }
0x1: {  	(tag) =	ssettag $0x0;
	lr =	simm.s32 $0x1  }
0x2: {  	[smem:$0x3F99] =	sst lr;
	_ =	strace $0xD0000000  }
0x3: {  	_ = 	snop  }
0x4: {  	_ = 	snop  }
0x5: {  	_ = 	snop  }
0x6: {  	_ = 	snop  }
0x7: {  	_ = 	snop  }
__scs_overlays_trampoline_lowered:
0x8: {  	[smem:$0x3FA8] =	sst s0  }
0x9: {  	[smem:$0x3FA9] =	sst s1  }
0xa: {  	[smem:$0x3FAA] =	sst s2  }
0xb: {  	[smem:$0x3FAB] =	sst s3  }
0xc: {  	[smem:$0x3FAC] =	sst s4  }
0xd: {  	[smem:$0x3FAD] =	sst s5  }
0xe: {  	[smem:$0x3FAE] =	sst s6  }
0xf: {  	[smem:$0x3FAF] =	sst s7  }
0x10: {  	[smem:$0x3FB0] =	sst s8  }
0x11: {  	[smem:$0x3FB1] =	sst s9;
	s0 =	simm.s32 @!p0 $0x0  }
0x12: {  	s1 =	sld [smem:$0x3F97];
	s0 =	simm.s32 @p0 $0x1  }
0x13: {  	[smem:$0x3FB2] =	sst s0;
	s0 =	simm.s32 @!p1 $0x0  }
0x14: {  	s2 =	sld [smem:$0x3F96];
	s0 =	simm.s32 @p1 $0x1  }
0x15: {  	[smem:$0x3FB3] =	sst s0;
	s0 =	simm.s32 @!p2 $0x0  }
0x16: {  	s3 =	sld [smem:$0x3FDB];
	s0 =	simm.s32 @p2 $0x1  }
0x17: {  	s4 =	simm.s32 $0x1BF5;
	[smem:$0x3FB5] =	sst s0  }
0x18: {  	s0 =	sld [smem:$0x3F98];
	_ =	swait.ge [sflag:s4], $0x0  }
0x19: {  	s7 =	sld [smem:$0x3F99]  }
0x1a: {  	s8 =	sadd.s32 $0xFFFFE003, lr  }
0x1b: {  	s9 =	sadd.s32 $0xFFFFFEF7, lr;
	s5 =	simm.s32 $0xFFFFFFFF;
	p2 =	slt.u32 s8, $0xFFFFF086  }
0x1c: {  	p1 =	slt.u32 s9, $0xF7A;
	s5 =	simm.s32 @!p2 $0x0  }
0x1d: {  	s5 =	simm.s32 @p1 $0x1;
	p0 =	seq.s32 s7, s2  }
0x1e: {  	s7 =	smul.u32 @!p0 $0xF7A, s2;
	p2 =	seq.s32 @!p0 s5, $0x0  }
0x1f: {  	s9 =	smul.u32 $0xF7A, s1;
	s8 =	simm.s32 @!p0 $0x1BF5;
	p2 =	por !p2, p0  }
0x20: {  	[sflag:s8] =	ssyncset.s32 @!p0 $0xFFFFF086;
	s6 =	sadd.s32 @!p0 s3, s7;
	s7 =	simm.s32 @!p0 $0x108  }
0x21: {  	s3 =	sadd.s32 s3, s9;
	s6 =	sadd.s32 @!p0 $0x88, s6;
	s7 =	simm.s32 @p2 $0x1082  }
0x22: {  	[simem:s7], [sflag:s8] =	dma.local @!p0 [hbm:s6], $0xF7A  }
0x23: {  	s9 =	sor.u32 $0xD0000000, s2;
	s6 =	simm.s32 $0x108;
	_ =	swait.ge @!p0 [sflag:s8], $0x0  }
0x24: {  	s3 =	sadd.s32 $0x88, s3;
	s6 =	simm.s32 @!p1 $0x1082;
	[sflag:s4] =	ssyncset.s32 $0xFFFFF086  }
0x25: {  	[simem:s6], [sflag:s4] =	dma.local [hbm:s3], $0xF7A  }
0x26: {  	[smem:$0x3F99] =	sst s1;
	(tag) =	ssettag s2;
	_ =	strace s9  }
0x27: {  	s1 =	sld [smem:$0x3FA9]  }
0x28: {  	s2 =	sld [smem:$0x3FAA]  }
0x29: {  	s4 =	sld [smem:$0x3FAC]  }
0x2a: {  	p0 =	seq.s32 s5, $0x0;
	s5 =	sld [smem:$0x3FAD]  }
0x2b: {  	s6 =	sld [smem:$0x3FAE]  }
0x2c: {  	s7 =	sld [smem:$0x3FAF]  }
0x2d: {  	s3 =	simm.s32 $0x108;
	s8 =	sld [smem:$0x3FB0]  }
0x2e: {  	s3 =	simm.s32 @!p0 $0x1082;
	s9 =	sld [smem:$0x3FB1]  }
0x2f: {  	lr =	sadd.s32 s0, s3;
	s0 =	sld [smem:$0x3FA8]  }
0x30: {  	s3 =	sld [smem:$0x3FAB]  }
0x31: {  	[smem:$0x3FB4] =	sst s10  }
0x32: {  	s10 =	sld [smem:$0x3FB2];
	_ =	sdelay $0x3  }
0x33: {  	p0 =	seq.s32 s10, $0x1;
	s10 =	sld [smem:$0x3FB4];
	_ =	sdelay $0x3  }
0x34: {  	[smem:$0x3FB4] =	sst s10  }
0x35: {  	s10 =	sld [smem:$0x3FB3];
	_ =	sdelay $0x3  }
0x36: {  	p1 =	seq.s32 s10, $0x1;
	s10 =	sld [smem:$0x3FB4];
	_ =	sdelay $0x3  }
0x37: {  	[smem:$0x3FB4] =	sst s10  }
0x38: {  	s10 =	sld [smem:$0x3FB5]  }
0x39: {  	_ = 	snop;
	(pc) =	sbr.ind lr, $3  }
0x3a: {  	_ = 	snop  }
0x3b: {  	_ = 	snop  }
0x3c: {  	p2 =	seq.s32 s10, $0x1;
	s10 =	sld [smem:$0x3FB4]  }
0x3d: {  	_ =	shalt  }
0x3e: {  	_ =	shalt  }
0x3f: {  	_ =	shalt  }
0x40: {  	_ =	shalt  }
0x41: {  	_ =	shalt  }
0x42: {  	_ =	shalt  }
0x43: {  	_ =	shalt  }
0x44: {  	_ =	shalt  }
0x45: {  	_ =	shalt  }
0x46: {  	_ =	shalt  }
0x47: {  	_ =	shalt  }
0x48: {  	_ =	shalt  }
0x49: {  	_ =	shalt  }
0x4a: {  	_ =	shalt  }
0x4b: {  	_ =	shalt  }
0x4c: {  	_ =	shalt  }
0x4d: {  	_ =	shalt  }
0x4e: {  	_ =	shalt  }
0x4f: {  	_ =	shalt  }
0x50: {  	_ =	shalt  }
0x51: {  	_ =	shalt  }
0x52: {  	_ =	shalt  }
0x53: {  	_ =	shalt  }
0x54: {  	_ =	shalt  }
0x55: {  	_ =	shalt  }
0x56: {  	_ =	shalt  }
0x57: {  	_ =	shalt  }
0x58: {  	_ =	shalt  }
0x59: {  	_ =	shalt  }
0x5a: {  	_ =	shalt  }
0x5b: {  	_ =	shalt  }
0x5c: {  	_ =	shalt  }
0x5d: {  	_ =	shalt  }
0x5e: {  	_ =	shalt  }
0x5f: {  	_ =	shalt  }
0x60: {  	_ =	shalt  }
0x61: {  	_ =	shalt  }
0x62: {  	_ =	shalt  }
0x63: {  	_ =	shalt  }
0x64: {  	_ =	shalt  }
0x65: {  	_ =	shalt  }
0x66: {  	_ =	shalt  }
0x67: {  	_ =	shalt  }
0x68: {  	_ =	shalt  }
0x69: {  	_ =	shalt  }
0x6a: {  	_ =	shalt  }
0x6b: {  	_ =	shalt  }
0x6c: {  	_ =	shalt  }
0x6d: {  	_ =	shalt  }
0x6e: {  	_ =	shalt  }
0x6f: {  	_ =	shalt  }
0x70: {  	_ =	shalt  }
0x71: {  	_ =	shalt  }
0x72: {  	_ =	shalt  }
0x73: {  	_ =	shalt  }
0x74: {  	_ =	shalt  }
0x75: {  	_ =	shalt  }
0x76: {  	_ =	shalt  }
0x77: {  	_ =	shalt  }
0x78: {  	_ =	shalt  }
0x79: {  	_ =	shalt  }
0x7a: {  	_ =	shalt  }
0x7b: {  	_ =	shalt  }
0x7c: {  	_ =	shalt  }
0x7d: {  	_ =	shalt  }
0x7e: {  	_ =	shalt  }
0x7f: {  	_ =	shalt  }
0x80: {  	_ =	shalt  }
0x81: {  	_ =	shalt  }
0x82: {  	_ =	shalt  }
0x83: {  	_ =	shalt  }
0x84: {  	_ =	shalt  }
0x85: {  	_ =	shalt  }
0x86: {  	_ =	shalt  }
0x87: {  	_ =	shalt  }
.Lfunc_end0:
.L_simem_size_0:
called_computation.3_lowered:
.L_overlay_start_0:
0x88: {  	s2 =	sld [smem:$0x3FD9]  }
0x89: {  	s3 =	sld [smem:$0x3FFE];
	_ =	sdelay $0x1  }
0x8a: {  	s1 =	srdreg.scid  }
0x8b: {  	s0 =	sand.u32 $0x1, s1  }
0x8c: {  	s17 =	sshll.u32 s0, $0xA;
	s2 =	sadd.s32 s3, s2  }
0x8d: {  	s2 =	sadd.s32 s2, s17  }
0x8e: {  	[smem:$0x3FC0] =	sst s2  }
0x8f: {  	_ = 	snop  }
0x90: {  	s2 =	sld [smem:$0x3FD0];
	(tm) =	ssettm $0x1  }
0x91: {  	s18 =	sld [smem:$0x3FFB];
	_ =	sdelay $0x3  }
0x92: {  	_ =	strace s18  }
0x93: {  	s3 =	sld [smem:$0x3FFC];
	_ =	sdelay $0x3  }
0x94: {  	_ =	strace s3  }
0x95: {  	s3 =	sld [smem:$0x3FFD];
	_ =	sdelay $0x3  }
0x96: {  	_ =	strace s3  }
0x97: {  	_ =	strace $0x8FFFFFFF  }
0x98: {  	s19 =	sld [smem:$0x3FDB];
	_ =	sdelay $0x1  }
0x99: {  	s4 =	simm.s32 $_scs_section_size  }
0x9a: {  	s5 =	simm.s32 $_size__tile_overlayer_lowered;
	s6 =	simm.s32 $_tile_overlayer_lowered  }
0x9b: {  	s22 =	simm.s32 $0x1BFF;
	s21 =	sshll.u32 s6, $0x1;
	s3 =	sadd.s32 s4, s19  }
0x9c: {  	s7 =	simm.s32 $0x0;
	s20 =	sshll.u32 s5, $0x1;
	s5 =	sadd.s32 s21, s3  }
0x9d: {  	[timem:s7], [sflag:s22] =	dma.local [hbm:s5], s20  }
0x9e: {  	_ =	swait.ge [sflag:s22], s20  }
0x9f: {  	s4 =	ssub.s32 $0x0, s20;
	[sflag:s22] =	ssyncset.done $0x0  }
0xa0: {  	[sflag:s22] =	ssyncadd.s32 s4;
	_ =	sdelay $0x1  }
0xa1: {  	s23 =	simm.s32 $0x1B8B  }
0xa2: {  	_ =	swait.ge [sflag:s23], $0x1  }
0xa3: {  	[sflag:s23] =	ssyncset.done $0x0  }
0xa4: {  	s25 =	simm.s32 $0x1B8E;
	s24 =	sld [smem:$0x3FFE];
	[sflag:s23] =	ssyncadd.s32 $0xFFFFFFFF  }
0xa5: {  	s26 =	simm.s32 $execute0_lowered;
	[smem:$0x3FD2] =	sst s25  }
0xa6: {  	s5 =	sshll.u32 s26, $0x1;
	_ =	strace $0x8000004F;
	[dreg:$0x1] =	wrdreg $0xFFFFFFFF  }
0xa7: {  	s28 =	simm.s32 $_size_execute0_lowered;
	s3 =	sadd.s32 s3, s5;
	[dreg:$0x0] =	wrdreg $0x0  }
0xa8: {  	s5 =	sshll.u32 s28, $0x1;
	[dreg:$0x2] =	wrdreg s3  }
0xa9: {  	[dreg:$0x3] =	wrdreg s5  }
0xaa: {  	[dreg:$0x4] =	wrdreg $0xC0  }
0xab: {  	_ =	task [dreg:s7], $0x5FFFF  }
0xac: {  	[dreg:$0x1] =	wrdreg $0xFFFFFFFF  }
0xad: {  	[dreg:$0x0] =	wrdreg $0x60  }
0xae: {  	[dreg:$0x2] =	wrdreg s24  }
0xaf: {  	[dreg:$0x3] =	wrdreg s2  }
0xb0: {  	[dreg:$0x4] =	wrdreg $0x15D000  }
0xb1: {  	[dreg:$0x5] =	wrdreg $0xBD000  }
0xb2: {  	[dreg:$0x6] =	wrdreg $0x9  }
0xb3: {  	_ =	task.clear_ibuf [dreg:s7], $0x7FFFF;
	_ =	strace $0x9000004F  }
0xb4: {  	s29 =	simm.s32 $0x9;
	_ =	strace $0x80000051  }
0xb5: {  	_ =	swait.ge [sflag:s29], $0x1  }
0xb6: {  	[sflag:s29] =	ssyncadd.s32 $0xFFFFFFFF  }
0xb7: {  	_ =	strace $0x90000051  }
0xb8: {  	_ =	sfence  }
0xb9: {  	s30 =	sld [smem:$0x0];
	_ =	sdelay $0x2  }
0xba: {  	s31 =	sshll.u32 s1, $0xD;
	s1 =	sshrl.u32 s1, $0x2  }
0xbb: {  	s3 =	sand.u32 $0x4000, s31;
	s1 =	sadd.s32 s1, s30  }
0xbc: {  	s0 =	sor.u32 s3, s0;
	s1 =	sshll.u32 s1, $0x11  }
0xbd: {  	s0 =	sor.u32 s1, s0  }
0xbe: {  	s0 =	sadd.s32 $0x8F2B, s0  }
0xbf: {  	[sflag:s0] =	ssyncadd.remote.s32 $0x1  }
0xc0: {  	_ =	sfence.sel $0xFFFF  }
0xc1: {  	[dreg:$0x0] =	wrdreg $0xFFFFFFFF;
	(pc) =	sbr.abs _section_cstart, $3  }
0xc2: {  	[dreg:$0x1] =	wrdreg $0xFFFFFFFF  }
0xc3: {  	_ =	task.clear_ibuf [dreg:s7], $0x2FFFF;
	_ =	strace $0x9FFFFFFF  }
0xc4: {  	(tm) =	ssettm $0x7FFFFFFF  }
0xc5: {  	_ =	shalt  }
tec
execute0_lowered:
.L_overlay_start_1:
0x0: {  	(tag) =	ssettag $0x1  }
0x1: {  	s5 =	rddreg [dreg:$0x0]  }
0x2: {  	s6 =	rddreg [dreg:$0x1]  }
0x3: {  	s2 =	rddreg [dreg:$0x2]  }
0x4: {  	s3 =	rddreg [dreg:$0x3]  }
0x5: {  	s0 =	rddreg [dreg:$0x4];
	s1 =	stileid.u32  }
0x6: {  	s4 =	simm.s32 $0x0;
	s8 =	srdreg.scid;
	s17 =	simm.s32 $0x1  }
0x7: {  	s7 =	smul.u32 $0x9C40, s1;
	[smem:$0x7FF] =	sst s4;
	s8 =	sand.u32 $0x1, s8  }
0x8: {  	s9 =	sshll.u32 s1, $0x1;
	s11 =	smul.u32 $0xA000, s1;
	s31 =	sshll.u32 s1, $0x6  }
0x9: {  	s9 =	sor.u32 s8, s9;
	_ =	strace $0x80000050;
	s12 =	smul.u32 $0x14000, s8  }
0xa: {  	s8 =	ssub.s32 $0x2, s8;
	s10 =	sshrl.u32 s7, $0x3;
	s9 =	smul.u32 $0x9D0, s9  }
0xb: {  	s18 =	sshrl.u32 s11, $0x3;
	s15 =	sshrl.u32 s8, $0x1;
	s30 =	sadd.s32 s7, s2  }
0xc: {  	s16 =	sadd.s32 s11, s3;
	s11 =	simm.s32 $0x4E80;
	s10 =	sadd.s32 s10, s5  }
0xd: {  	s14 =	sadd.s32 s18, s5;
	s12 =	sadd.s32 s12, s5;
	s15 =	ssub.s32 s8, s15  }
0xe: {  	s13 =	sadd.s32 s9, s5;
	s6 =	sadd.s32 s6, s9;
	s7 =	sadd.s32 $0x20600, s10  }
0xf: {  	s8 =	sadd.s32 $0x34000, s14;
	s19 =	sadd.s32 $0x48000, s12;
	s9 =	smax.u32 s15, $0x1  }
0x10: {  	s10 =	simm.s32 $0x2;
	s12 =	sor.u32 $0x1C02, s31;
	s14 =	sshrl.u32 s16, $0x3  }
0x11: {  	s15 =	simm.s32 $0x80;
	s16 =	simm.s32 $0x9D00;
	s5 =	sadd.s32 $0xCC00, s13  }
0x12: {  	s13 =	sshrl.u32 s30, $0x3;
	s18 =	sadd.s32 s18, s19;
	s19 =	simm.s32 $0x0  }
.LBB2_1:
0x13: {  	[tilespmem:s4], [sflag:$0x2] =	stream.linear.gather [hbm4b:s5+s4], $0x4E80, $0x38;
	[tilespmem:$0x1F940] =	vst v63  }
0x14: {  	_ =	swait.ge [sflag:s10], $0x4E80  }
0x15: {  	[sflag:s10] =	ssyncset.done $0x0  }
0x16: {  	[sflag:s10] =	ssyncadd.s32 $0xFFFFB180  }
0x17: {  	[tilespmem:s11], [sflag:$0x2] =	stream.linear.gather [hbm4b:s6+s4], $0x4E80, $0x38;
	[tilespmem:$0x1F940] =	vst v63  }
0x18: {  	_ =	swait.ge [sflag:s10], $0x4E80  }
0x19: {  	[sflag:s10] =	ssyncset.done $0x0  }
0x1a: {  	[sflag:s10] =	ssyncadd.s32 $0xFFFFB180  }
0x1b: {  	[spmem:s13], [sflag:s12] =	dma.local [hbm:s7], $0x1388  }
0x1c: {  	_ =	swait.ge [sflag:s10], $0x1388  }
0x1d: {  	[sflag:s10] =	ssyncset.done $0x0  }
0x1e: {  	[sflag:s10] =	ssyncadd.s32 $0xFFFFEC78  }
0x1f: {  	[spmem:s14], [sflag:s12] =	dma.local [hbm:s8], $0x1400  }
0x20: {  	_ =	swait.ge [sflag:s10], $0x1400  }
0x21: {  	[sflag:s10] =	ssyncset.done $0x0  }
0x22: {  	[sflag:s10] =	ssyncadd.s32 $0xFFFFEC00  }
0x23: {  	s20 =	simm.s32 $0x0;
	[bflag:$0x0] =	sbarrier.arrive $0xFFFF  }
0x24: {  	[tilespmem:s16], [sflag:$0x1] =	stream.indirect.gather [spmem:s2], $0x40, s20, s15, $0xb8;
	[tilespmem:$0x1F940] =	vst v63  }
0x25: {  	_ =	swait.ge [sflag:s17], $0x2000  }
0x26: {  	[sflag:s17] =	ssyncset.done $0x0  }
0x27: {  	s31 =	simm.s32 $0x4E80;
	[sflag:s17] =	ssyncadd.s32 $0xFFFFE000  }
0x28: {  	[spmem:s3] =	stream.indirect.scatter.add.f32 [tilespmem:s16], [sflag:$0x2], $0x40, s31, s15, $0xb8;
	[tilespmem:$0x1F940] =	vst v63  }
0x29: {  	_ =	swait.ge [sflag:s10], $0x2000  }
0x2a: {  	s21 =	simm.s32 $0x400;
	s20 =	simm.s32 $0x200;
	[sflag:s10] =	ssyncset.done $0x0  }
.LBB2_2:
0x2b: {  	s22 =	sshra.s32 s20, $0x2  }
0x2c: {  	[sflag:s10] =	ssyncadd.s32 $0xFFFFE000;
	s20 =	smov.u32 s21;
	s23 =	sadd.s32 $0x200, s21  }
0x2d: {  	[tilespmem:s16], [sflag:$0x1] =	stream.indirect.gather [spmem:s2], $0x40, s22, s15, $0xb8;
	[tilespmem:$0x1F940] =	vst v63  }
0x2e: {  	p0 =	sne.s32 s21, $0x13800;
	_ =	swait.ge [sflag:s17], $0x2000  }
.Ltmp0:
0x2f: {  	[sflag:s17] =	ssyncset.done $0x0;
	(pc) =	sbr.rel @p0 .LBB2_2-.Ltmp0, $4  }
0x30: {  	s21 =	sadd.s32 $0x4E80, s22;
	[sflag:s17] =	ssyncadd.s32 $0xFFFFE000  }
0x31: {  	[spmem:s3] =	stream.indirect.scatter.add.f32 [tilespmem:s16], [sflag:$0x2], $0x40, s21, s15, $0xb8;
	[tilespmem:$0x1F940] =	vst v63  }
0x32: {  	_ =	swait.ge [sflag:s10], $0x2000  }
0x33: {  	s21 =	smov.u32 s23;
	[sflag:s10] =	ssyncset.done $0x0  }
0x34: {  	s20 =	sshra.s32 s20, $0x2;
	[sflag:s10] =	ssyncadd.s32 $0xFFFFE000  }
0x35: {  	[tilespmem:s16], [sflag:$0x1] =	stream.indirect.gather [spmem:s2], $0x40, s20, s15, $0xb8;
	[tilespmem:$0x1F940] =	vst v63  }
0x36: {  	_ =	swait.ge [sflag:s17], $0x2000  }
0x37: {  	[sflag:s17] =	ssyncset.done $0x0  }
0x38: {  	s20 =	sadd.s32 $0x4E80, s20;
	[sflag:s17] =	ssyncadd.s32 $0xFFFFE000  }
0x39: {  	[spmem:s3] =	stream.indirect.scatter.add.f32 [tilespmem:s16], [sflag:$0x2], $0x40, s20, s15, $0xb8;
	[tilespmem:$0x1F940] =	vst v63  }
0x3a: {  	_ =	swait.ge [sflag:s10], $0x2000  }
0x3b: {  	s19 =	sadd.s32 $0x1, s19;
	[sflag:s10] =	ssyncset.done $0x0  }
0x3c: {  	p0 =	sne.s32 s19, s9;
	[sflag:s10] =	ssyncadd.s32 $0xFFFFE000  }
.Ltmp1:
0x3d: {  	[bflag:$0x0] =	sbarrier.arrive $0xFFFF;
	(pc) =	sbr.rel @p0 .LBB2_1-.Ltmp1, $4  }
0x3e: {  	[hbm:s18], [sflag:s12] =	dma.local [spmem:s14], $0x1400  }
0x3f: {  	_ =	swait.ge [sflag:s10], $0x1400  }
0x40: {  	[sflag:s10] =	ssyncset.done $0x0  }
0x41: {  	[sflag:s10] =	ssyncadd.s32 $0xFFFFEC00  }
0x42: {  	_ =	sfence.sel $0x180000  }
0x43: {  	[bflag:$0x0] =	sbarrier.arrive $0xFFFF  }
0x44: {  	p0 =	sne.s32 s1, $0x0;
	_ =	strace $0x90000050  }
0x45: {  	s0 =	sadd.s32 @!p0 $0x100000, s0;
	[bflag:$0x2] =	sbarrier.arrive $0xFFFF  }
0x46: {  	[sflag:s0] =	ssyncadd.tile.s32 @!p0 $0x1;
	_ =	shalt  }
.Lfunc_end2:
_tile_overlayer_lowered:
.L_overlay_start_2:
0x47: {  	(tag) =	ssettag $0x2  }
0x48: {  	s0 =	rddreg [dreg:$0x0];
	s2 =	stileid.u32  }
0x49: {  	s1 =	rddreg [dreg:$0x1];
	p0 =	sne.s32 s2, $0x0  }
0x4a: {  	s3 =	rddreg [dreg:$0x2];
	[bflag:$0x3] =	sbarrier.arrive $0xFFFF;
	s2 =	simm.s32 @!p0 $0x1C02  }
0x4b: {  	[timem:s3], [sflag:s2] =	dma.local @!p0 [hbm:s0], s1  }
0x4c: {  	s0 =	simm.s32 @!p0 $0x2  }
0x4d: {  	_ =	swait.ge @!p0 [sflag:s0], s1  }
0x4e: {  	s1 =	ssub.s32 @!p0 $0x0, s1;
	[sflag:s0] =	ssyncset.done @!p0 $0x0  }
0x4f: {  	[sflag:s0] =	ssyncadd.s32 @!p0 s1  }
0x50: {  	[bflag:$0x3] =	sbarrier.arrive $0xFFFF  }
0x51: {  	_ =	shalt  }

</sc_bundles>
